<compile_context>
chip_gen: v7x
topology: tpu7x:2x2x1
jax: 0.10.2.dev20260603
libtpu: 0.0.44.dev20260713+nightly
codegen_flags: <defaults>
</compile_context>

<pallas_src>
import functools
import math

import jax
import jax.numpy as jnp
from jax import lax
from jax.experimental import pallas as pl
from jax.experimental.pallas import tpu as pltpu
from jax.experimental.pallas import tpu_sc as plsc

TOPK = 5
EPS = 1e-5
ROWBLK = 256


def _topk_body(hcr_ref, xct_ref, idx_ref, *, nch, base_size, last_size, cp):
    c = pl.program_id(0)
    h = hcr_ref[...].astype(jnp.bfloat16).astype(jnp.float32)
    x = xct_ref[0].astype(jnp.bfloat16).astype(jnp.float32)
    p0 = h[:, 0:1] * x[0:1, :]
    p1 = h[:, 1:2] * x[1:2, :]
    p2 = h[:, 2:3] * x[2:3, :]

    def two_sum(a, b):
        s = a + b
        bv = s - a
        return s, (a - (s - bv)) + (b - bv)

    s1, e1 = two_sum(p0, p2)
    s2, e2 = two_sum(s1, p1)
    sim = s2 + (e1 + e2)
    col = lax.broadcasted_iota(jnp.int32, (ROWBLK, cp), 1)
    valid = jnp.where(c == nch - 1, last_size, base_size)
    sim = jnp.where(col < valid, sim, -jnp.inf)
    base = c * base_size
    for k in range(TOPK):
        mx = jnp.max(sim, axis=1, keepdims=True)
        am = jnp.min(jnp.where(sim >= mx, col, jnp.int32(2 ** 30)),
                     axis=1, keepdims=True)
        idx_ref[:, k:k + 1] = am + base
        sim = jnp.where(col == am, -jnp.inf, sim)


def _wvo_body(wv_ref, wo_ref, o_ref):
    o_ref[...] = jnp.dot(wv_ref[...], wo_ref[...],
                         preferred_element_type=jnp.float32,
                         precision=jax.lax.Precision.HIGHEST)


def _ep_body(s_ref, x_ref, wvo_ref, wp_ref, bo_ref, g1_ref, b1_ref,
             bp_ref, g2_ref, b2_ref, o_ref):
    c1 = 1.0 / math.sqrt(1.0 + EPS)
    s = s_ref[...] + x_ref[...]
    y = jnp.dot(s, wvo_ref[...], preferred_element_type=jnp.float32)
    y = jnp.maximum((y + bo_ref[...]) * c1 * g1_ref[...] + b1_ref[...], 0.0)
    z = jnp.dot(y, wp_ref[...], preferred_element_type=jnp.float32)
    o_ref[...] = jnp.maximum((z + bp_ref[...]) * c1 * g2_ref[...]
                             + b2_ref[...], 0.0)


def _sc_gather_sum(h_f, idx_tbl, p_total):
    d = h_f.shape[1]
    nrows = idx_tbl.shape[0]
    g_per_w = nrows // 32
    nfire = 4
    nmac = g_per_w // nfire
    mesh = plsc.VectorSubcoreMesh(core_axis_name="c", subcore_axis_name="s")

    @functools.partial(
        pl.kernel, mesh=mesh,
        out_type=jax.ShapeDtypeStruct((p_total, d), jnp.float32),
        scratch_types=[
            pltpu.VMEM((g_per_w, 80), jnp.int32),
            pltpu.VMEM((2, nfire * 80, d), jnp.float32),
            pltpu.VMEM((nfire * 16, d), jnp.float32),
            pltpu.SemaphoreType.DMA,
            pltpu.SemaphoreType.DMA,
        ],
    )
    def sc_kernel(hf_hbm, idx_hbm, out_hbm, idx_all, rows, outv, sem0, sem1):
        wid = lax.axis_index("s") * 2 + lax.axis_index("c")
        row0 = wid * g_per_w
        pltpu.sync_copy(idx_hbm.at[pl.ds(row0, g_per_w)], idx_all)
        sems = (sem0, sem1)

        def fire(m, buf, sem):
            for s in range(nfire):
                pltpu.async_copy(hf_hbm.at[idx_all.at[m * nfire + s]],
                                 rows.at[buf].at[pl.ds(s * 80, 80)], sem)

        fire(0, 0, sem0)

        def outer(i, carry):
            for b in (0, 1):
                m = 2 * i + b
                nb = 1 - b

                @pl.when(m + 1 < nmac)
                def _():
                    fire(m + 1, nb, sems[nb])

                pltpu.make_async_copy(hf_hbm.at[pl.ds(0, nfire * 80)],
                                      rows.at[b], sems[b]).wait()
                rb = rows.at[b]

                def accp(p, c2):
                    r0 = 5 * p
                    for l in range(d // 16):
                        sl = pl.ds(l * 16, 16)
                        acc = (rb[r0, sl] + rb[r0 + 1, sl] + rb[r0 + 2, sl]
                               + rb[r0 + 3, sl] + rb[r0 + 4, sl])
                        outv[p, sl] = acc
                    return c2

                lax.fori_loop(0, nfire * 16, accp, 0)
                pltpu.sync_copy(
                    outv, out_hbm.at[pl.ds(row0 * 16 + m * (nfire * 16),
                                           nfire * 16)])
            return carry

        lax.fori_loop(0, nmac // 2, outer, 0)

    return sc_kernel(h_f, idx_tbl)


def kernel(h_F, x_F, x_C, h_C, Wq, Wk, Wv, Wo, bo, g1, b1, Wp, bp, g2, b2):
    n, ch = x_F.shape
    fenkuai = int(2 * n ** (2.0 / 3.0))
    nch_full = n // fenkuai
    rem = n - nch_full * fenkuai
    nch = nch_full + (1 if rem > 0 else 0)
    base_size = fenkuai
    last_size = rem if rem > 0 else fenkuai
    cp = ((base_size + ROWBLK - 1) // ROWBLK) * ROWBLK
    nblk = cp // ROWBLK

    def chunk_pad(a):
        out = jnp.zeros((nch, cp, 3), a.dtype)
        out = out.at[:nch_full, :base_size].set(
            a[:nch_full * base_size].reshape(nch_full, base_size, 3))
        if rem > 0:
            out = out.at[nch - 1, :rem].set(a[nch_full * base_size:])
        return out

    xct = jnp.pad(chunk_pad(x_C).transpose(0, 2, 1), ((0, 0), (0, 5), (0, 0)))
    hcr = jnp.pad(chunk_pad(h_C).reshape(nch * cp, 3), ((0, 0), (0, 5)))

    idx_out = pl.pallas_call(
        functools.partial(_topk_body, nch=nch, base_size=base_size,
                          last_size=last_size, cp=cp),
        grid=(nch, nblk),
        in_specs=[
            pl.BlockSpec((ROWBLK, 8), lambda c, r: (c * nblk + r, 0)),
            pl.BlockSpec((1, 8, cp), lambda c, r: (c, 0, 0)),
        ],
        out_specs=pl.BlockSpec((ROWBLK, 8), lambda c, r: (c * nblk + r, 0)),
        out_shape=jax.ShapeDtypeStruct((nch * cp, 8), jnp.int32),
    )(hcr, xct)

    full = idx_out[:nch_full * cp].reshape(nch_full, cp, 8)[:, :base_size, :TOPK]
    parts = [full.transpose(0, 2, 1).reshape(-1)]
    if rem > 0:
        parts.append(
            idx_out[nch_full * cp:nch_full * cp + rem, :TOPK].T.reshape(-1))
    flat = jnp.concatenate(parts) if len(parts) > 1 else parts[0]

    p_total = ((n + 4095) // 4096) * 4096
    flat = jnp.pad(flat, (0, p_total * TOPK - n * TOPK))
    idx_tbl = flat.reshape(p_total // 16, 80)

    s5 = _sc_gather_sum(h_F, idx_tbl, p_total)[:n]

    wvo = pl.pallas_call(
        _wvo_body,
        in_specs=[pl.BlockSpec(Wv.shape, lambda: (0, 0)),
                  pl.BlockSpec(Wo.shape, lambda: (0, 0))],
        out_specs=pl.BlockSpec((ch, ch), lambda: (0, 0)),
        out_shape=jax.ShapeDtypeStruct((ch, ch), jnp.float32),
    )(Wv, Wo)

    rblk = 400
    assert n % rblk == 0
    vec = lambda v: v.reshape(1, ch)
    out = pl.pallas_call(
        _ep_body,
        grid=(n // rblk,),
        in_specs=[
            pl.BlockSpec((rblk, ch), lambda i: (i, 0)),
            pl.BlockSpec((rblk, ch), lambda i: (i, 0)),
            pl.BlockSpec((ch, ch), lambda i: (0, 0)),
            pl.BlockSpec((ch, ch), lambda i: (0, 0)),
            pl.BlockSpec((1, ch), lambda i: (0, 0)),
            pl.BlockSpec((1, ch), lambda i: (0, 0)),
            pl.BlockSpec((1, ch), lambda i: (0, 0)),
            pl.BlockSpec((1, ch), lambda i: (0, 0)),
            pl.BlockSpec((1, ch), lambda i: (0, 0)),
            pl.BlockSpec((1, ch), lambda i: (0, 0)),
        ],
        out_specs=pl.BlockSpec((rblk, ch), lambda i: (i, 0)),
        out_shape=jax.ShapeDtypeStruct((n, ch), jnp.float32),
    )(s5, x_F, wvo, Wp, vec(bo), vec(g1), vec(b1), vec(bp), vec(g2), vec(b2))
    return out

# --- scband reference (transcript-rebuilt; emitter-appended) ---
"""Pipeline reference for scband-transfusion-50611894616901 (READ-ONLY COPY).

The authoritative reference and input builder live on the scoring server;
editing this copy changes nothing except your own understanding.
"""

import jax, jax.numpy as jnp
import numpy as np

N = 50000
CH = 128
HD = 128
HEADS = 4
INNER = HD * HEADS
TOPK = 5
EPS = 1e-5


def setup_inputs(seed: int = 0) -> dict:
    key = jax.random.key(seed)
    ks = jax.random.split(key, 16)
    inp = {}
    inp['h_F'] = jax.random.normal(ks[0], (N, CH), dtype=jnp.float32)
    inp['x_F'] = jax.random.normal(ks[1], (N, CH), dtype=jnp.float32)
    inp['x_C'] = jax.random.normal(ks[2], (N, 3), dtype=jnp.float32)
    inp['h_C'] = jax.random.normal(ks[3], (N, 3), dtype=jnp.float32)
    # localatten (Atten) params
    inp['Wq'] = jax.random.normal(ks[4], (CH, INNER), dtype=jnp.float32) * 0.05
    inp['Wk'] = jax.random.normal(ks[5], (CH, INNER), dtype=jnp.float32) * 0.05
    inp['Wv'] = jax.random.normal(ks[6], (CH, INNER), dtype=jnp.float32) * 0.05
    inp['Wo'] = jax.random.normal(ks[7], (INNER, CH), dtype=jnp.float32) * 0.05
    inp['bo'] = jnp.zeros((CH,), dtype=jnp.float32)
    inp['g1'] = jnp.ones((HD,), dtype=jnp.float32)
    inp['b1'] = jnp.zeros((HD,), dtype=jnp.float32)
    # point_transforms_h params
    inp['Wp'] = jax.random.normal(ks[8], (CH, CH), dtype=jnp.float32) * 0.05
    inp['bp'] = jnp.zeros((CH,), dtype=jnp.float32)
    inp['g2'] = jnp.ones((HD,), dtype=jnp.float32)
    inp['b2'] = jnp.zeros((HD,), dtype=jnp.float32)
    return inp


def _atten(h, x, Wq, Wk, Wv, Wo, bo, g1, b1):
    # h: [n, K, CH], x: [n, CH]
    n = x.shape[0]
    scale = CH ** (-0.5)
    x_q = (x @ Wq).reshape(n, HEADS, -1)            # [n, 4, 128]
    x_q = jnp.transpose(x_q, (1, 0, 2))[..., None]   # [4, n, 128, 1]
    h_k = (h @ Wk).reshape(n, -1, HEADS, HD)         # [n, K, 4, 128]
    h_k = jnp.transpose(h_k, (2, 0, 1, 3))           # [4, n, K, 128]
    h_v = (h @ Wv).reshape(n, -1, HEADS, HD)
    h_v = jnp.transpose(h_v, (2, 0, 3, 1))           # [4, n, 128, K]
    weight = jnp.matmul(h_k, x_q) * scale            # [4, n, K, 1]
    weight = jax.nn.softmax(weight, axis=-1)         # softmax over size-1 dim (faithful to torch code)
    out = jnp.matmul(h_v, weight)                    # [4, n, 128, 1]
    out = jnp.transpose(out[..., 0], (1, 0, 2)).reshape(n, INNER)
    out = out @ Wo + bo
    out = out / jnp.sqrt(1.0 + EPS) * g1 + b1        # BatchNorm1d eval (running stats 0/1)
    return jax.nn.relu(out)


def _getnewpoints(x_f, h_f, x_c, h_cT, n_points, Wq, Wk, Wv, Wo, bo, g1, b1):
    if x_c.shape[0] < TOPK:
        return x_f
    index = x_c @ h_cT                               # [n, n]
    _, idx = jax.lax.top_k(jnp.transpose(index), TOPK)  # torch.topk(index, k, dim=0) -> [k, n]
    idx = jnp.transpose(idx)                         # [TOPK, n]
    flat = idx.reshape(-1)                           # row-major flatten, faithful to index.view(-1)
    h_g = h_f[flat].reshape(n_points, TOPK, -1)
    h_cat = jnp.concatenate([h_g, x_f[:, None, :]], axis=1)  # [n, TOPK+1, CH]
    return _atten(h_cat, x_f, Wq, Wk, Wv, Wo, bo, g1, b1)


def reference(h_F, x_F, x_C, h_C, Wq, Wk, Wv, Wo, bo, g1, b1, Wp, bp, g2, b2):
    n_points = x_F.shape[0]
    h_cT = jnp.transpose(h_C)                        # [3, N]
    fenkuai = int(2 * n_points ** (2.0 / 3.0))
    if n_points < fenkuai:
        result = _getnewpoints(x_F, h_F, x_C, h_cT, n_points, Wq, Wk, Wv, Wo, bo, g1, b1)
    else:
        parts = []
        nchunks = n_points // fenkuai
        for i in range(nchunks):
            s, e = i * fenkuai, (i + 1) * fenkuai
            parts.append(_getnewpoints(x_F[s:e], h_F[s:e], x_C[s:e], h_cT[:, s:e], fenkuai, Wq, Wk, Wv, Wo, bo, g1, b1))
        s = fenkuai * nchunks
        if n_points - s > 0:
            parts.append(_getnewpoints(x_F[s:], h_F[s:], x_C[s:], h_cT[:, s:], n_points - s, Wq, Wk, Wv, Wo, bo, g1, b1))
        result = jnp.concatenate(parts, axis=0)
    # point_transforms_h: Linear + BatchNorm1d(eval) + ReLU
    result = result @ Wp + bp
    result = result / jnp.sqrt(1.0 + EPS) * g2 + b2
    result = jax.nn.relu(result)
    return result

if __name__ == "__main__":
    import jax
    _d = setup_inputs()
    print(jax.jit(kernel)(*tuple(_d.values())))

</pallas_src>

<mosaic_0001>
#map = affine_map<(d0, d1) -> (0, 0)>
module attributes {stable_mosaic.version = 14 : i64} {
  func.func @sc_kernel(%arg0: i32, %arg1: i32, %arg2: memref<50000x128xf32, #tpu.memory_space<hbm>>, %arg3: memref<3328x80xi32, #tpu.memory_space<hbm>>, %arg4: memref<53248x128xf32, #tpu.memory_space<hbm>>, %arg5: memref<104x80xi32, #tpu.memory_space<vmem>>, %arg6: memref<2x320x128xf32, #tpu.memory_space<vmem>>, %arg7: memref<64x128xf32, #tpu.memory_space<vmem>>, %arg8: memref<!tpu.dma_semaphore, #tpu.memory_space<semaphore_mem>>, %arg9: memref<!tpu.dma_semaphore, #tpu.memory_space<semaphore_mem>>) attributes {dimension_semantics = [#tpu.dimension_semantics<core_parallel>, #tpu.dimension_semantics<subcore_parallel>], iteration_bounds = array<i64: 2, 16>, scalar_prefetch = 0 : i64, scratch_operands = 5 : i64, tpu.core_type = #tpu.core_type<sc_vector_subcore>, window_params = [{transform_indices = #map}, {transform_indices = #map}, {transform_indices = #map}]} {
    %mul3A = arith.constant 2 : i32
    %mul3A_0 = arith.muli %arg1, %mul3A : i32
    %add3A = arith.addi %mul3A_0, %arg0 : i32
    %mul3A_1 = arith.constant 104 : i32
    %mul3A_2 = arith.muli %add3A, %mul3A_1 : i32
    "tpu.region"() ({
      %run_scoped3A = tpu.sem_alloc : memref<!tpu.dma_semaphore, #tpu.memory_space<semaphore_mem>>
      %dma_start3A_67 = arith.constant 0 : i32
      %dma_start3A_68 = tpu.memref_slice %arg3[%mul3A_2, %dma_start3A_67] : memref<3328x80xi32, #tpu.memory_space<hbm>> -> memref<104x80xi32, #tpu.memory_space<hbm>>
      %dma_start3A_69 = arith.constant 0 : i32
      %dma_start3A_70 = tpu.memref_slice %arg3[%mul3A_2, %dma_start3A_69] : memref<3328x80xi32, #tpu.memory_space<hbm>> -> memref<104x80xi32, #tpu.memory_space<hbm>>
      tpu.enqueue_dma source(%dma_start3A_70 : memref<104x80xi32, #tpu.memory_space<hbm>>) target(%arg5 : memref<104x80xi32, #tpu.memory_space<vmem>>) target_semaphore(%run_scoped3A : memref<!tpu.dma_semaphore, #tpu.memory_space<semaphore_mem>>)
      %dma_wait3A = arith.constant 0 : i32
      %dma_wait3A_71 = tpu.memref_slice %arg3[%mul3A_2, %dma_wait3A] : memref<3328x80xi32, #tpu.memory_space<hbm>> -> memref<104x80xi32, #tpu.memory_space<hbm>>
      %dma_wait3A_72 = arith.constant 0 : i32
      %dma_wait3A_73 = tpu.memref_slice %arg3[%mul3A_2, %dma_wait3A_72] : memref<3328x80xi32, #tpu.memory_space<hbm>> -> memref<104x80xi32, #tpu.memory_space<hbm>>
      tpu.wait_dma2 semaphore(%run_scoped3A : memref<!tpu.dma_semaphore, #tpu.memory_space<semaphore_mem>>) src(%dma_wait3A_73 : memref<104x80xi32, #tpu.memory_space<hbm>>) dst(%arg5 : memref<104x80xi32, #tpu.memory_space<vmem>>)
      tpu.yield
    }) : () -> ()
    %dma_start3A = arith.constant 0 : i32
    %dma_start3A_3 = arith.constant 0 : i32
    %dma_start3A_4 = arith.constant 0 : i32
    %dma_start3A_5 = arith.constant 0 : i32
    %dma_start3A_6 = tpu.memref_slice %arg6[%dma_start3A_3, %dma_start3A_4, %dma_start3A_5] : memref<2x320x128xf32, #tpu.memory_space<vmem>> -> memref<1x320x128xf32, #tpu.memory_space<vmem>>
    %dma_start3A_7 = tpu.memref_squeeze %dma_start3A_6 : memref<1x320x128xf32, #tpu.memory_space<vmem>> -> memref<320x128xf32, #tpu.memory_space<vmem>>
    %dma_start3A_8 = arith.constant 0 : i32
    %dma_start3A_9 = arith.constant 0 : i32
    %dma_start3A_10 = tpu.memref_slice %dma_start3A_7[%dma_start3A_8, %dma_start3A_9] : memref<320x128xf32, #tpu.memory_space<vmem>> -> memref<80x128xf32, #tpu.memory_space<vmem>>
    %dma_start3A_11 = arith.constant 0 : i32
    %dma_start3A_12 = tpu.memref_slice %arg5[%dma_start3A, %dma_start3A_11] : memref<104x80xi32, #tpu.memory_space<vmem>> -> memref<1x80xi32, #tpu.memory_space<vmem>>
    %dma_start3A_13 = tpu.memref_squeeze %dma_start3A_12 : memref<1x80xi32, #tpu.memory_space<vmem>> -> memref<80xi32, #tpu.memory_space<vmem>>
    %dma_start3A_14 = arith.constant 0 : i32
    %dma_start3A_15 = arith.constant 0 : i32
    %dma_start3A_16 = tpu.memref_slice %arg2[%dma_start3A_14, %dma_start3A_15] : memref<50000x128xf32, #tpu.memory_space<hbm>> -> memref<50000x128xf32, #tpu.memory_space<hbm>>
    tpu.enqueue_indirect_dma source(%dma_start3A_16 : memref<50000x128xf32, #tpu.memory_space<hbm>>) target(%dma_start3A_10 : memref<80x128xf32, #tpu.memory_space<vmem>>) offsets(%dma_start3A_13 : memref<80xi32, #tpu.memory_space<vmem>>) semaphore(%arg8 : memref<!tpu.dma_semaphore, #tpu.memory_space<semaphore_mem>>)
    %dma_start3A_17 = arith.constant 1 : i32
    %dma_start3A_18 = arith.constant 0 : i32
    %dma_start3A_19 = arith.constant 0 : i32
    %dma_start3A_20 = arith.constant 0 : i32
    %dma_start3A_21 = tpu.memref_slice %arg6[%dma_start3A_18, %dma_start3A_19, %dma_start3A_20] : memref<2x320x128xf32, #tpu.memory_space<vmem>> -> memref<1x320x128xf32, #tpu.memory_space<vmem>>
    %dma_start3A_22 = tpu.memref_squeeze %dma_start3A_21 : memref<1x320x128xf32, #tpu.memory_space<vmem>> -> memref<320x128xf32, #tpu.memory_space<vmem>>
    %dma_start3A_23 = arith.constant 80 : i32
    %dma_start3A_24 = arith.constant 0 : i32
    %dma_start3A_25 = tpu.memref_slice %dma_start3A_22[%dma_start3A_23, %dma_start3A_24] : memref<320x128xf32, #tpu.memory_space<vmem>> -> memref<80x128xf32, #tpu.memory_space<vmem>>
    %dma_start3A_26 = arith.constant 0 : i32
    %dma_start3A_27 = tpu.memref_slice %arg5[%dma_start3A_17, %dma_start3A_26] : memref<104x80xi32, #tpu.memory_space<vmem>> -> memref<1x80xi32, #tpu.memory_space<vmem>>
    %dma_start3A_28 = tpu.memref_squeeze %dma_start3A_27 : memref<1x80xi32, #tpu.memory_space<vmem>> -> memref<80xi32, #tpu.memory_space<vmem>>
    %dma_start3A_29 = arith.constant 0 : i32
    %dma_start3A_30 = arith.constant 0 : i32
    %dma_start3A_31 = tpu.memref_slice %arg2[%dma_start3A_29, %dma_start3A_30] : memref<50000x128xf32, #tpu.memory_space<hbm>> -> memref<50000x128xf32, #tpu.memory_space<hbm>>
    tpu.enqueue_indirect_dma source(%dma_start3A_31 : memref<50000x128xf32, #tpu.memory_space<hbm>>) target(%dma_start3A_25 : memref<80x128xf32, #tpu.memory_space<vmem>>) offsets(%dma_start3A_28 : memref<80xi32, #tpu.memory_space<vmem>>) semaphore(%arg8 : memref<!tpu.dma_semaphore, #tpu.memory_space<semaphore_mem>>)
    %dma_start3A_32 = arith.constant 2 : i32
    %dma_start3A_33 = arith.constant 0 : i32
    %dma_start3A_34 = arith.constant 0 : i32
    %dma_start3A_35 = arith.constant 0 : i32
    %dma_start3A_36 = tpu.memref_slice %arg6[%dma_start3A_33, %dma_start3A_34, %dma_start3A_35] : memref<2x320x128xf32, #tpu.memory_space<vmem>> -> memref<1x320x128xf32, #tpu.memory_space<vmem>>
    %dma_start3A_37 = tpu.memref_squeeze %dma_start3A_36 : memref<1x320x128xf32, #tpu.memory_space<vmem>> -> memref<320x128xf32, #tpu.memory_space<vmem>>
    %dma_start3A_38 = arith.constant 160 : i32
    %dma_start3A_39 = arith.constant 0 : i32
    %dma_start3A_40 = tpu.memref_slice %dma_start3A_37[%dma_start3A_38, %dma_start3A_39] : memref<320x128xf32, #tpu.memory_space<vmem>> -> memref<80x128xf32, #tpu.memory_space<vmem>>
    %dma_start3A_41 = arith.constant 0 : i32
    %dma_start3A_42 = tpu.memref_slice %arg5[%dma_start3A_32, %dma_start3A_41] : memref<104x80xi32, #tpu.memory_space<vmem>> -> memref<1x80xi32, #tpu.memory_space<vmem>>
    %dma_start3A_43 = tpu.memref_squeeze %dma_start3A_42 : memref<1x80xi32, #tpu.memory_space<vmem>> -> memref<80xi32, #tpu.memory_space<vmem>>
    %dma_start3A_44 = arith.constant 0 : i32
    %dma_start3A_45 = arith.constant 0 : i32
    %dma_start3A_46 = tpu.memref_slice %arg2[%dma_start3A_44, %dma_start3A_45] : memref<50000x128xf32, #tpu.memory_space<hbm>> -> memref<50000x128xf32, #tpu.memory_space<hbm>>
    tpu.enqueue_indirect_dma source(%dma_start3A_46 : memref<50000x128xf32, #tpu.memory_space<hbm>>) target(%dma_start3A_40 : memref<80x128xf32, #tpu.memory_space<vmem>>) offsets(%dma_start3A_43 : memref<80xi32, #tpu.memory_space<vmem>>) semaphore(%arg8 : memref<!tpu.dma_semaphore, #tpu.memory_space<semaphore_mem>>)
    %dma_start3A_47 = arith.constant 3 : i32
    %dma_start3A_48 = arith.constant 0 : i32
    %dma_start3A_49 = arith.constant 0 : i32
    %dma_start3A_50 = arith.constant 0 : i32
    %dma_start3A_51 = tpu.memref_slice %arg6[%dma_start3A_48, %dma_start3A_49, %dma_start3A_50] : memref<2x320x128xf32, #tpu.memory_space<vmem>> -> memref<1x320x128xf32, #tpu.memory_space<vmem>>
    %dma_start3A_52 = tpu.memref_squeeze %dma_start3A_51 : memref<1x320x128xf32, #tpu.memory_space<vmem>> -> memref<320x128xf32, #tpu.memory_space<vmem>>
    %dma_start3A_53 = arith.constant 240 : i32
    %dma_start3A_54 = arith.constant 0 : i32
    %dma_start3A_55 = tpu.memref_slice %dma_start3A_52[%dma_start3A_53, %dma_start3A_54] : memref<320x128xf32, #tpu.memory_space<vmem>> -> memref<80x128xf32, #tpu.memory_space<vmem>>
    %dma_start3A_56 = arith.constant 0 : i32
    %dma_start3A_57 = tpu.memref_slice %arg5[%dma_start3A_47, %dma_start3A_56] : memref<104x80xi32, #tpu.memory_space<vmem>> -> memref<1x80xi32, #tpu.memory_space<vmem>>
    %dma_start3A_58 = tpu.memref_squeeze %dma_start3A_57 : memref<1x80xi32, #tpu.memory_space<vmem>> -> memref<80xi32, #tpu.memory_space<vmem>>
    %dma_start3A_59 = arith.constant 0 : i32
    %dma_start3A_60 = arith.constant 0 : i32
    %dma_start3A_61 = tpu.memref_slice %arg2[%dma_start3A_59, %dma_start3A_60] : memref<50000x128xf32, #tpu.memory_space<hbm>> -> memref<50000x128xf32, #tpu.memory_space<hbm>>
    tpu.enqueue_indirect_dma source(%dma_start3A_61 : memref<50000x128xf32, #tpu.memory_space<hbm>>) target(%dma_start3A_55 : memref<80x128xf32, #tpu.memory_space<vmem>>) offsets(%dma_start3A_58 : memref<80xi32, #tpu.memory_space<vmem>>) semaphore(%arg8 : memref<!tpu.dma_semaphore, #tpu.memory_space<semaphore_mem>>)
    %scan3A = arith.constant 0 : i32
    %scan3A_62 = arith.constant 0 : i32
    %scan3A_63 = arith.constant 13 : i32
    %scan3A_64 = arith.addi %scan3A_62, %scan3A_63 : i32
    %scan3A_65 = arith.constant 1 : i32
    scf.for %scan3A_67 = %scan3A_62 to %scan3A_64 step %scan3A_65  : i32 {
      %mul3A_68 = arith.constant 2 : i32
      %mul3A_69 = arith.muli %mul3A_68, %scan3A_67 : i32
      %add3A_70 = arith.constant 0 : i32
      %add3A_71 = arith.addi %mul3A_69, %add3A_70 : i32
      %add3A_72 = arith.constant 1 : i32
      %add3A_73 = arith.addi %add3A_71, %add3A_72 : i32
      %lt3A = arith.constant 26 : i32
      %lt3A_74 = arith.cmpi slt, %add3A_73, %lt3A : i32
      %convert_element_type3A = arith.extui %lt3A_74 : i1 to i32
      %cond3A = arith.constant 0 : i32
      %cond3A_75 = arith.cmpi ne, %convert_element_type3A, %cond3A : i32
      scf.if %cond3A_75 {
        %add3A_140 = arith.constant 1 : i32
        %add3A_141 = arith.addi %add3A_71, %add3A_140 : i32
        %mul3A_142 = arith.constant 4 : i32
        %mul3A_143 = arith.muli %add3A_141, %mul3A_142 : i32
        %add3A_144 = arith.constant 0 : i32
        %add3A_145 = arith.addi %mul3A_143, %add3A_144 : i32
        %dma_start3A_146 = arith.constant 1 : i32
        %dma_start3A_147 = arith.constant 0 : i32
        %dma_start3A_148 = arith.constant 0 : i32
        %dma_start3A_149 = tpu.memref_slice %arg6[%dma_start3A_146, %dma_start3A_147, %dma_start3A_148] : memref<2x320x128xf32, #tpu.memory_space<vmem>> -> memref<1x320x128xf32, #tpu.memory_space<vmem>>
        %dma_start3A_150 = tpu.memref_squeeze %dma_start3A_149 : memref<1x320x128xf32, #tpu.memory_space<vmem>> -> memref<320x128xf32, #tpu.memory_space<vmem>>
        %dma_start3A_151 = arith.constant 0 : i32
        %dma_start3A_152 = arith.constant 0 : i32
        %dma_start3A_153 = tpu.memref_slice %dma_start3A_150[%dma_start3A_151, %dma_start3A_152] : memref<320x128xf32, #tpu.memory_space<vmem>> -> memref<80x128xf32, #tpu.memory_space<vmem>>
        %dma_start3A_154 = arith.constant 0 : i32
        %dma_start3A_155 = tpu.memref_slice %arg5[%add3A_145, %dma_start3A_154] : memref<104x80xi32, #tpu.memory_space<vmem>> -> memref<1x80xi32, #tpu.memory_space<vmem>>
        %dma_start3A_156 = tpu.memref_squeeze %dma_start3A_155 : memref<1x80xi32, #tpu.memory_space<vmem>> -> memref<80xi32, #tpu.memory_space<vmem>>
        %dma_start3A_157 = arith.constant 0 : i32
        %dma_start3A_158 = arith.constant 0 : i32
        %dma_start3A_159 = tpu.memref_slice %arg2[%dma_start3A_157, %dma_start3A_158] : memref<50000x128xf32, #tpu.memory_space<hbm>> -> memref<50000x128xf32, #tpu.memory_space<hbm>>
        tpu.enqueue_indirect_dma source(%dma_start3A_159 : memref<50000x128xf32, #tpu.memory_space<hbm>>) target(%dma_start3A_153 : memref<80x128xf32, #tpu.memory_space<vmem>>) offsets(%dma_start3A_156 : memref<80xi32, #tpu.memory_space<vmem>>) semaphore(%arg9 : memref<!tpu.dma_semaphore, #tpu.memory_space<semaphore_mem>>)
        %mul3A_160 = arith.constant 4 : i32
        %mul3A_161 = arith.muli %add3A_141, %mul3A_160 : i32
        %add3A_162 = arith.constant 1 : i32
        %add3A_163 = arith.addi %mul3A_161, %add3A_162 : i32
        %dma_start3A_164 = arith.constant 1 : i32
        %dma_start3A_165 = arith.constant 0 : i32
        %dma_start3A_166 = arith.constant 0 : i32
        %dma_start3A_167 = tpu.memref_slice %arg6[%dma_start3A_164, %dma_start3A_165, %dma_start3A_166] : memref<2x320x128xf32, #tpu.memory_space<vmem>> -> memref<1x320x128xf32, #tpu.memory_space<vmem>>
        %dma_start3A_168 = tpu.memref_squeeze %dma_start3A_167 : memref<1x320x128xf32, #tpu.memory_space<vmem>> -> memref<320x128xf32, #tpu.memory_space<vmem>>
        %dma_start3A_169 = arith.constant 80 : i32
        %dma_start3A_170 = arith.constant 0 : i32
        %dma_start3A_171 = tpu.memref_slice %dma_start3A_168[%dma_start3A_169, %dma_start3A_170] : memref<320x128xf32, #tpu.memory_space<vmem>> -> memref<80x128xf32, #tpu.memory_space<vmem>>
        %dma_start3A_172 = arith.constant 0 : i32
        %dma_start3A_173 = tpu.memref_slice %arg5[%add3A_163, %dma_start3A_172] : memref<104x80xi32, #tpu.memory_space<vmem>> -> memref<1x80xi32, #tpu.memory_space<vmem>>
        %dma_start3A_174 = tpu.memref_squeeze %dma_start3A_173 : memref<1x80xi32, #tpu.memory_space<vmem>> -> memref<80xi32, #tpu.memory_space<vmem>>
        %dma_start3A_175 = arith.constant 0 : i32
        %dma_start3A_176 = arith.constant 0 : i32
        %dma_start3A_177 = tpu.memref_slice %arg2[%dma_start3A_175, %dma_start3A_176] : memref<50000x128xf32, #tpu.memory_space<hbm>> -> memref<50000x128xf32, #tpu.memory_space<hbm>>
        tpu.enqueue_indirect_dma source(%dma_start3A_177 : memref<50000x128xf32, #tpu.memory_space<hbm>>) target(%dma_start3A_171 : memref<80x128xf32, #tpu.memory_space<vmem>>) offsets(%dma_start3A_174 : memref<80xi32, #tpu.memory_space<vmem>>) semaphore(%arg9 : memref<!tpu.dma_semaphore, #tpu.memory_space<semaphore_mem>>)
        %mul3A_178 = arith.constant 4 : i32
        %mul3A_179 = arith.muli %add3A_141, %mul3A_178 : i32
        %add3A_180 = arith.constant 2 : i32
        %add3A_181 = arith.addi %mul3A_179, %add3A_180 : i32
        %dma_start3A_182 = arith.constant 1 : i32
        %dma_start3A_183 = arith.constant 0 : i32
        %dma_start3A_184 = arith.constant 0 : i32
        %dma_start3A_185 = tpu.memref_slice %arg6[%dma_start3A_182, %dma_start3A_183, %dma_start3A_184] : memref<2x320x128xf32, #tpu.memory_space<vmem>> -> memref<1x320x128xf32, #tpu.memory_space<vmem>>
        %dma_start3A_186 = tpu.memref_squeeze %dma_start3A_185 : memref<1x320x128xf32, #tpu.memory_space<vmem>> -> memref<320x128xf32, #tpu.memory_space<vmem>>
        %dma_start3A_187 = arith.constant 160 : i32
        %dma_start3A_188 = arith.constant 0 : i32
        %dma_start3A_189 = tpu.memref_slice %dma_start3A_186[%dma_start3A_187, %dma_start3A_188] : memref<320x128xf32, #tpu.memory_space<vmem>> -> memref<80x128xf32, #tpu.memory_space<vmem>>
        %dma_start3A_190 = arith.constant 0 : i32
        %dma_start3A_191 = tpu.memref_slice %arg5[%add3A_181, %dma_start3A_190] : memref<104x80xi32, #tpu.memory_space<vmem>> -> memref<1x80xi32, #tpu.memory_space<vmem>>
        %dma_start3A_192 = tpu.memref_squeeze %dma_start3A_191 : memref<1x80xi32, #tpu.memory_space<vmem>> -> memref<80xi32, #tpu.memory_space<vmem>>
        %dma_start3A_193 = arith.constant 0 : i32
        %dma_start3A_194 = arith.constant 0 : i32
        %dma_start3A_195 = tpu.memref_slice %arg2[%dma_start3A_193, %dma_start3A_194] : memref<50000x128xf32, #tpu.memory_space<hbm>> -> memref<50000x128xf32, #tpu.memory_space<hbm>>
        tpu.enqueue_indirect_dma source(%dma_start3A_195 : memref<50000x128xf32, #tpu.memory_space<hbm>>) target(%dma_start3A_189 : memref<80x128xf32, #tpu.memory_space<vmem>>) offsets(%dma_start3A_192 : memref<80xi32, #tpu.memory_space<vmem>>) semaphore(%arg9 : memref<!tpu.dma_semaphore, #tpu.memory_space<semaphore_mem>>)
        %mul3A_196 = arith.constant 4 : i32
        %mul3A_197 = arith.muli %add3A_141, %mul3A_196 : i32
        %add3A_198 = arith.constant 3 : i32
        %add3A_199 = arith.addi %mul3A_197, %add3A_198 : i32
        %dma_start3A_200 = arith.constant 1 : i32
        %dma_start3A_201 = arith.constant 0 : i32
        %dma_start3A_202 = arith.constant 0 : i32
        %dma_start3A_203 = tpu.memref_slice %arg6[%dma_start3A_200, %dma_start3A_201, %dma_start3A_202] : memref<2x320x128xf32, #tpu.memory_space<vmem>> -> memref<1x320x128xf32, #tpu.memory_space<vmem>>
        %dma_start3A_204 = tpu.memref_squeeze %dma_start3A_203 : memref<1x320x128xf32, #tpu.memory_space<vmem>> -> memref<320x128xf32, #tpu.memory_space<vmem>>
        %dma_start3A_205 = arith.constant 240 : i32
        %dma_start3A_206 = arith.constant 0 : i32
        %dma_start3A_207 = tpu.memref_slice %dma_start3A_204[%dma_start3A_205, %dma_start3A_206] : memref<320x128xf32, #tpu.memory_space<vmem>> -> memref<80x128xf32, #tpu.memory_space<vmem>>
        %dma_start3A_208 = arith.constant 0 : i32
        %dma_start3A_209 = tpu.memref_slice %arg5[%add3A_199, %dma_start3A_208] : memref<104x80xi32, #tpu.memory_space<vmem>> -> memref<1x80xi32, #tpu.memory_space<vmem>>
        %dma_start3A_210 = tpu.memref_squeeze %dma_start3A_209 : memref<1x80xi32, #tpu.memory_space<vmem>> -> memref<80xi32, #tpu.memory_space<vmem>>
        %dma_start3A_211 = arith.constant 0 : i32
        %dma_start3A_212 = arith.constant 0 : i32
        %dma_start3A_213 = tpu.memref_slice %arg2[%dma_start3A_211, %dma_start3A_212] : memref<50000x128xf32, #tpu.memory_space<hbm>> -> memref<50000x128xf32, #tpu.memory_space<hbm>>
        tpu.enqueue_indirect_dma source(%dma_start3A_213 : memref<50000x128xf32, #tpu.memory_space<hbm>>) target(%dma_start3A_207 : memref<80x128xf32, #tpu.memory_space<vmem>>) offsets(%dma_start3A_210 : memref<80xi32, #tpu.memory_space<vmem>>) semaphore(%arg9 : memref<!tpu.dma_semaphore, #tpu.memory_space<semaphore_mem>>)
      } else {
      }
      %dma_wait3A = arith.constant 0 : i32
      %dma_wait3A_76 = arith.constant 0 : i32
      %dma_wait3A_77 = arith.constant 0 : i32
      %dma_wait3A_78 = tpu.memref_slice %arg6[%dma_wait3A, %dma_wait3A_76, %dma_wait3A_77] : memref<2x320x128xf32, #tpu.memory_space<vmem>> -> memref<1x320x128xf32, #tpu.memory_space<vmem>>
      %dma_wait3A_79 = tpu.memref_squeeze %dma_wait3A_78 : memref<1x320x128xf32, #tpu.memory_space<vmem>> -> memref<320x128xf32, #tpu.memory_space<vmem>>
      %dma_wait3A_80 = arith.constant 0 : i32
      %dma_wait3A_81 = arith.constant 0 : i32
      %dma_wait3A_82 = tpu.memref_slice %arg2[%dma_wait3A_80, %dma_wait3A_81] : memref<50000x128xf32, #tpu.memory_space<hbm>> -> memref<320x128xf32, #tpu.memory_space<hbm>>
      %dma_wait3A_83 = arith.constant 0 : i32
      %dma_wait3A_84 = arith.constant 0 : i32
      %dma_wait3A_85 = tpu.memref_slice %arg6[%dma_wait3A, %dma_wait3A_83, %dma_wait3A_84] : memref<2x320x128xf32, #tpu.memory_space<vmem>> -> memref<1x320x128xf32, #tpu.memory_space<vmem>>
      %dma_wait3A_86 = tpu.memref_squeeze %dma_wait3A_85 : memref<1x320x128xf32, #tpu.memory_space<vmem>> -> memref<320x128xf32, #tpu.memory_space<vmem>>
      %dma_wait3A_87 = arith.constant 0 : i32
      %dma_wait3A_88 = arith.constant 0 : i32
      %dma_wait3A_89 = tpu.memref_slice %arg2[%dma_wait3A_87, %dma_wait3A_88] : memref<50000x128xf32, #tpu.memory_space<hbm>> -> memref<320x128xf32, #tpu.memory_space<hbm>>
      tpu.wait_dma2 semaphore(%arg8 : memref<!tpu.dma_semaphore, #tpu.memory_space<semaphore_mem>>) src(%dma_wait3A_89 : memref<320x128xf32, #tpu.memory_space<hbm>>) dst(%dma_wait3A_86 : memref<320x128xf32, #tpu.memory_space<vmem>>)
      %scan3A_90 = arith.constant 0 : i32
      %scan3A_91 = arith.constant 0 : i32
      %scan3A_92 = arith.constant 0 : i32
      %scan3A_93 = arith.constant 64 : i32
      %scan3A_94 = arith.addi %scan3A_92, %scan3A_93 : i32
      %scan3A_95 = arith.constant 1 : i32
      scf.for %scan3A_140 = %scan3A_92 to %scan3A_94 step %scan3A_95  : i32 {
        %mul3A_141 = arith.constant 5 : i32
        %mul3A_142 = arith.muli %mul3A_141, %scan3A_140 : i32
        %get3A = arith.constant 0 : i32
        %get3A_143 = arith.constant 0 : i32
        %get3A_144 = tpu.memref_slice %arg6[%scan3A_91, %get3A, %get3A_143] : memref<2x320x128xf32, #tpu.memory_space<vmem>> -> memref<1x320x128xf32, #tpu.memory_space<vmem>>
        %get3A_145 = tpu.memref_squeeze %get3A_144 : memref<1x320x128xf32, #tpu.memory_space<vmem>> -> memref<320x128xf32, #tpu.memory_space<vmem>>
        %get3A_146 = arith.index_cast %mul3A_142 : i32 to index
        %get3A_147 = arith.constant 0 : index
        %get3A_148 = tpu.vector_load %get3A_145[%get3A_146, %get3A_147] {strides = array<i32>} : memref<320x128xf32, #tpu.memory_space<vmem>>, vector<1x16xf32>,
        %get3A_149 = vector.shape_cast %get3A_148 : vector<1x16xf32> to vector<16xf32>
        %add3A_150 = arith.constant 1 : i32
        %add3A_151 = arith.addi %mul3A_142, %add3A_150 : i32
        %get3A_152 = arith.constant 0 : i32
        %get3A_153 = arith.constant 0 : i32
        %get3A_154 = tpu.memref_slice %arg6[%scan3A_91, %get3A_152, %get3A_153] : memref<2x320x128xf32, #tpu.memory_space<vmem>> -> memref<1x320x128xf32, #tpu.memory_space<vmem>>
        %get3A_155 = tpu.memref_squeeze %get3A_154 : memref<1x320x128xf32, #tpu.memory_space<vmem>> -> memref<320x128xf32, #tpu.memory_space<vmem>>
        %get3A_156 = arith.index_cast %add3A_151 : i32 to index
        %get3A_157 = arith.constant 0 : index
        %get3A_158 = tpu.vector_load %get3A_155[%get3A_156, %get3A_157] {strides = array<i32>} : memref<320x128xf32, #tpu.memory_space<vmem>>, vector<1x16xf32>,
        %get3A_159 = vector.shape_cast %get3A_158 : vector<1x16xf32> to vector<16xf32>
        %add3A_160 = arith.addf %get3A_149, %get3A_159 : vector<16xf32>
        %add3A_161 = arith.constant 2 : i32
        %add3A_162 = arith.addi %mul3A_142, %add3A_161 : i32
        %get3A_163 = arith.constant 0 : i32
        %get3A_164 = arith.constant 0 : i32
        %get3A_165 = tpu.memref_slice %arg6[%scan3A_91, %get3A_163, %get3A_164] : memref<2x320x128xf32, #tpu.memory_space<vmem>> -> memref<1x320x128xf32, #tpu.memory_space<vmem>>
        %get3A_166 = tpu.memref_squeeze %get3A_165 : memref<1x320x128xf32, #tpu.memory_space<vmem>> -> memref<320x128xf32, #tpu.memory_space<vmem>>
        %get3A_167 = arith.index_cast %add3A_162 : i32 to index
        %get3A_168 = arith.constant 0 : index
        %get3A_169 = tpu.vector_load %get3A_166[%get3A_167, %get3A_168] {strides = array<i32>} : memref<320x128xf32, #tpu.memory_space<vmem>>, vector<1x16xf32>,
        %get3A_170 = vector.shape_cast %get3A_169 : vector<1x16xf32> to vector<16xf32>
        %add3A_171 = arith.addf %add3A_160, %get3A_170 : vector<16xf32>
        %add3A_172 = arith.constant 3 : i32
        %add3A_173 = arith.addi %mul3A_142, %add3A_172 : i32
        %get3A_174 = arith.constant 0 : i32
        %get3A_175 = arith.constant 0 : i32
        %get3A_176 = tpu.memref_slice %arg6[%scan3A_91, %get3A_174, %get3A_175] : memref<2x320x128xf32, #tpu.memory_space<vmem>> -> memref<1x320x128xf32, #tpu.memory_space<vmem>>
        %get3A_177 = tpu.memref_squeeze %get3A_176 : memref<1x320x128xf32, #tpu.memory_space<vmem>> -> memref<320x128xf32, #tpu.memory_space<vmem>>
        %get3A_178 = arith.index_cast %add3A_173 : i32 to index
        %get3A_179 = arith.constant 0 : index
        %get3A_180 = tpu.vector_load %get3A_177[%get3A_178, %get3A_179] {strides = array<i32>} : memref<320x128xf32, #tpu.memory_space<vmem>>, vector<1x16xf32>,
        %get3A_181 = vector.shape_cast %get3A_180 : vector<1x16xf32> to vector<16xf32>
        %add3A_182 = arith.addf %add3A_171, %get3A_181 : vector<16xf32>
        %add3A_183 = arith.constant 4 : i32
        %add3A_184 = arith.addi %mul3A_142, %add3A_183 : i32
        %get3A_185 = arith.constant 0 : i32
        %get3A_186 = arith.constant 0 : i32
        %get3A_187 = tpu.memref_slice %arg6[%scan3A_91, %get3A_185, %get3A_186] : memref<2x320x128xf32, #tpu.memory_space<vmem>> -> memref<1x320x128xf32, #tpu.memory_space<vmem>>
        %get3A_188 = tpu.memref_squeeze %get3A_187 : memref<1x320x128xf32, #tpu.memory_space<vmem>> -> memref<320x128xf32, #tpu.memory_space<vmem>>
        %get3A_189 = arith.index_cast %add3A_184 : i32 to index
        %get3A_190 = arith.constant 0 : index
        %get3A_191 = tpu.vector_load %get3A_188[%get3A_189, %get3A_190] {strides = array<i32>} : memref<320x128xf32, #tpu.memory_space<vmem>>, vector<1x16xf32>,
        %get3A_192 = vector.shape_cast %get3A_191 : vector<1x16xf32> to vector<16xf32>
        %add3A_193 = arith.addf %add3A_182, %get3A_192 : vector<16xf32>
        %swap3A = arith.index_cast %scan3A_140 : i32 to index
        %swap3A_194 = arith.constant 0 : index
        %swap3A_195 = tpu.vector_load %arg7[%swap3A, %swap3A_194] {strides = array<i32>} : memref<64x128xf32, #tpu.memory_space<vmem>>, vector<1x16xf32>,
        %swap3A_196 = vector.shape_cast %swap3A_195 : vector<1x16xf32> to vector<16xf32>
        %swap3A_197 = vector.shape_cast %add3A_193 : vector<16xf32> to vector<1x16xf32>
        tpu.vector_store %arg7[%swap3A, %swap3A_194], %swap3A_197 {strides = array<i32>} : memref<64x128xf32, #tpu.memory_space<vmem>>, vector<1x16xf32>,
        %get3A_198 = arith.constant 0 : i32
        %get3A_199 = arith.constant 0 : i32
        %get3A_200 = tpu.memref_slice %arg6[%scan3A_91, %get3A_198, %get3A_199] : memref<2x320x128xf32, #tpu.memory_space<vmem>> -> memref<1x320x128xf32, #tpu.memory_space<vmem>>
        %get3A_201 = tpu.memref_squeeze %get3A_200 : memref<1x320x128xf32, #tpu.memory_space<vmem>> -> memref<320x128xf32, #tpu.memory_space<vmem>>
        %get3A_202 = arith.index_cast %mul3A_142 : i32 to index
        %get3A_203 = arith.constant 16 : index
        %get3A_204 = tpu.vector_load %get3A_201[%get3A_202, %get3A_203] {strides = array<i32>} : memref<320x128xf32, #tpu.memory_space<vmem>>, vector<1x16xf32>,
        %get3A_205 = vector.shape_cast %get3A_204 : vector<1x16xf32> to vector<16xf32>
        %add3A_206 = arith.constant 1 : i32
        %add3A_207 = arith.addi %mul3A_142, %add3A_206 : i32
        %get3A_208 = arith.constant 0 : i32
        %get3A_209 = arith.constant 0 : i32
        %get3A_210 = tpu.memref_slice %arg6[%scan3A_91, %get3A_208, %get3A_209] : memref<2x320x128xf32, #tpu.memory_space<vmem>> -> memref<1x320x128xf32, #tpu.memory_space<vmem>>
        %get3A_211 = tpu.memref_squeeze %get3A_210 : memref<1x320x128xf32, #tpu.memory_space<vmem>> -> memref<320x128xf32, #tpu.memory_space<vmem>>
        %get3A_212 = arith.index_cast %add3A_207 : i32 to index
        %get3A_213 = arith.constant 16 : index
        %get3A_214 = tpu.vector_load %get3A_211[%get3A_212, %get3A_213] {strides = array<i32>} : memref<320x128xf32, #tpu.memory_space<vmem>>, vector<1x16xf32>,
        %get3A_215 = vector.shape_cast %get3A_214 : vector<1x16xf32> to vector<16xf32>
        %add3A_216 = arith.addf %get3A_205, %get3A_215 : vector<16xf32>
        %add3A_217 = arith.constant 2 : i32
        %add3A_218 = arith.addi %mul3A_142, %add3A_217 : i32
        %get3A_219 = arith.constant 0 : i32
        %get3A_220 = arith.constant 0 : i32
        %get3A_221 = tpu.memref_slice %arg6[%scan3A_91, %get3A_219, %get3A_220] : memref<2x320x128xf32, #tpu.memory_space<vmem>> -> memref<1x320x128xf32, #tpu.memory_space<vmem>>
        %get3A_222 = tpu.memref_squeeze %get3A_221 : memref<1x320x128xf32, #tpu.memory_space<vmem>> -> memref<320x128xf32, #tpu.memory_space<vmem>>
        %get3A_223 = arith.index_cast %add3A_218 : i32 to index
        %get3A_224 = arith.constant 16 : index
        %get3A_225 = tpu.vector_load %get3A_222[%get3A_223, %get3A_224] {strides = array<i32>} : memref<320x128xf32, #tpu.memory_space<vmem>>, vector<1x16xf32>,
        %get3A_226 = vector.shape_cast %get3A_225 : vector<1x16xf32> to vector<16xf32>
        %add3A_227 = arith.addf %add3A_216, %get3A_226 : vector<16xf32>
        %add3A_228 = arith.constant 3 : i32
        %add3A_229 = arith.addi %mul3A_142, %add3A_228 : i32
        %get3A_230 = arith.constant 0 : i32
        %get3A_231 = arith.constant 0 : i32
        %get3A_232 = tpu.memref_slice %arg6[%scan3A_91, %get3A_230, %get3A_231] : memref<2x320x128xf32, #tpu.memory_space<vmem>> -> memref<1x320x128xf32, #tpu.memory_space<vmem>>
        %get3A_233 = tpu.memref_squeeze %get3A_232 : memref<1x320x128xf32, #tpu.memory_space<vmem>> -> memref<320x128xf32, #tpu.memory_space<vmem>>
        %get3A_234 = arith.index_cast %add3A_229 : i32 to index
        %get3A_235 = arith.constant 16 : index
        %get3A_236 = tpu.vector_load %get3A_233[%get3A_234, %get3A_235] {strides = array<i32>} : memref<320x128xf32, #tpu.memory_space<vmem>>, vector<1x16xf32>,
        %get3A_237 = vector.shape_cast %get3A_236 : vector<1x16xf32> to vector<16xf32>
        %add3A_238 = arith.addf %add3A_227, %get3A_237 : vector<16xf32>
        %add3A_239 = arith.constant 4 : i32
        %add3A_240 = arith.addi %mul3A_142, %add3A_239 : i32
        %get3A_241 = arith.constant 0 : i32
        %get3A_242 = arith.constant 0 : i32
        %get3A_243 = tpu.memref_slice %arg6[%scan3A_91, %get3A_241, %get3A_242] : memref<2x320x128xf32, #tpu.memory_space<vmem>> -> memref<1x320x128xf32, #tpu.memory_space<vmem>>
        %get3A_244 = tpu.memref_squeeze %get3A_243 : memref<1x320x128xf32, #tpu.memory_space<vmem>> -> memref<320x128xf32, #tpu.memory_space<vmem>>
        %get3A_245 = arith.index_cast %add3A_240 : i32 to index
        %get3A_246 = arith.constant 16 : index
        %get3A_247 = tpu.vector_load %get3A_244[%get3A_245, %get3A_246] {strides = array<i32>} : memref<320x128xf32, #tpu.memory_space<vmem>>, vector<1x16xf32>,
        %get3A_248 = vector.shape_cast %get3A_247 : vector<1x16xf32> to vector<16xf32>
        %add3A_249 = arith.addf %add3A_238, %get3A_248 : vector<16xf32>
        %swap3A_250 = arith.index_cast %scan3A_140 : i32 to index
        %swap3A_251 = arith.constant 16 : index
        %swap3A_252 = tpu.vector_load %arg7[%swap3A_250, %swap3A_251] {strides = array<i32>} : memref<64x128xf32, #tpu.memory_space<vmem>>, vector<1x16xf32>,
        %swap3A_253 = vector.shape_cast %swap3A_252 : vector<1x16xf32> to vector<16xf32>
        %swap3A_254 = vector.shape_cast %add3A_249 : vector<16xf32> to vector<1x16xf32>
        tpu.vector_store %arg7[%swap3A_250, %swap3A_251], %swap3A_254 {strides = array<i32>} : memref<64x128xf32, #tpu.memory_space<vmem>>, vector<1x16xf32>,
        %get3A_255 = arith.constant 0 : i32
        %get3A_256 = arith.constant 0 : i32
        %get3A_257 = tpu.memref_slice %arg6[%scan3A_91, %get3A_255, %get3A_256] : memref<2x320x128xf32, #tpu.memory_space<vmem>> -> memref<1x320x128xf32, #tpu.memory_space<vmem>>
        %get3A_258 = tpu.memref_squeeze %get3A_257 : memref<1x320x128xf32, #tpu.memory_space<vmem>> -> memref<320x128xf32, #tpu.memory_space<vmem>>
        %get3A_259 = arith.index_cast %mul3A_142 : i32 to index
        %get3A_260 = arith.constant 32 : index
        %get3A_261 = tpu.vector_load %get3A_258[%get3A_259, %get3A_260] {strides = array<i32>} : memref<320x128xf32, #tpu.memory_space<vmem>>, vector<1x16xf32>,
        %get3A_262 = vector.shape_cast %get3A_261 : vector<1x16xf32> to vector<16xf32>
        %add3A_263 = arith.constant 1 : i32
        %add3A_264 = arith.addi %mul3A_142, %add3A_263 : i32
        %get3A_265 = arith.constant 0 : i32
        %get3A_266 = arith.constant 0 : i32
        %get3A_267 = tpu.memref_slice %arg6[%scan3A_91, %get3A_265, %get3A_266] : memref<2x320x128xf32, #tpu.memory_space<vmem>> -> memref<1x320x128xf32, #tpu.memory_space<vmem>>
        %get3A_268 = tpu.memref_squeeze %get3A_267 : memref<1x320x128xf32, #tpu.memory_space<vmem>> -> memref<320x128xf32, #tpu.memory_space<vmem>>
        %get3A_269 = arith.index_cast %add3A_264 : i32 to index
        %get3A_270 = arith.constant 32 : index
        %get3A_271 = tpu.vector_load %get3A_268[%get3A_269, %get3A_270] {strides = array<i32>} : memref<320x128xf32, #tpu.memory_space<vmem>>, vector<1x16xf32>,
        %get3A_272 = vector.shape_cast %get3A_271 : vector<1x16xf32> to vector<16xf32>
        %add3A_273 = arith.addf %get3A_262, %get3A_272 : vector<16xf32>
        %add3A_274 = arith.constant 2 : i32
        %add3A_275 = arith.addi %mul3A_142, %add3A_274 : i32
        %get3A_276 = arith.constant 0 : i32
        %get3A_277 = arith.constant 0 : i32
        %get3A_278 = tpu.memref_slice %arg6[%scan3A_91, %get3A_276, %get3A_277] : memref<2x320x128xf32, #tpu.memory_space<vmem>> -> memref<1x320x128xf32, #tpu.memory_space<vmem>>
        %get3A_279 = tpu.memref_squeeze %get3A_278 : memref<1x320x128xf32, #tpu.memory_space<vmem>> -> memref<320x128xf32, #tpu.memory_space<vmem>>
        %get3A_280 = arith.index_cast %add3A_275 : i32 to index
        %get3A_281 = arith.constant 32 : index
        %get3A_282 = tpu.vector_load %get3A_279[%get3A_280, %get3A_281] {strides = array<i32>} : memref<320x128xf32, #tpu.memory_space<vmem>>, vector<1x16xf32>,
        %get3A_283 = vector.shape_cast %get3A_282 : vector<1x16xf32> to vector<16xf32>
        %add3A_284 = arith.addf %add3A_273, %get3A_283 : vector<16xf32>
        %add3A_285 = arith.constant 3 : i32
        %add3A_286 = arith.addi %mul3A_142, %add3A_285 : i32
        %get3A_287 = arith.constant 0 : i32
        %get3A_288 = arith.constant 0 : i32
        %get3A_289 = tpu.memref_slice %arg6[%scan3A_91, %get3A_287, %get3A_288] : memref<2x320x128xf32, #tpu.memory_space<vmem>> -> memref<1x320x128xf32, #tpu.memory_space<vmem>>
        %get3A_290 = tpu.memref_squeeze %get3A_289 : memref<1x320x128xf32, #tpu.memory_space<vmem>> -> memref<320x128xf32, #tpu.memory_space<vmem>>
        %get3A_291 = arith.index_cast %add3A_286 : i32 to index
        %get3A_292 = arith.constant 32 : index
        %get3A_293 = tpu.vector_load %get3A_290[%get3A_291, %get3A_292] {strides = array<i32>} : memref<320x128xf32, #tpu.memory_space<vmem>>, vector<1x16xf32>,
        %get3A_294 = vector.shape_cast %get3A_293 : vector<1x16xf32> to vector<16xf32>
        %add3A_295 = arith.addf %add3A_284, %get3A_294 : vector<16xf32>
        %add3A_296 = arith.constant 4 : i32
        %add3A_297 = arith.addi %mul3A_142, %add3A_296 : i32
        %get3A_298 = arith.constant 0 : i32
        %get3A_299 = arith.constant 0 : i32
        %get3A_300 = tpu.memref_slice %arg6[%scan3A_91, %get3A_298, %get3A_299] : memref<2x320x128xf32, #tpu.memory_space<vmem>> -> memref<1x320x128xf32, #tpu.memory_space<vmem>>
        %get3A_301 = tpu.memref_squeeze %get3A_300 : memref<1x320x128xf32, #tpu.memory_space<vmem>> -> memref<320x128xf32, #tpu.memory_space<vmem>>
        %get3A_302 = arith.index_cast %add3A_297 : i32 to index
        %get3A_303 = arith.constant 32 : index
        %get3A_304 = tpu.vector_load %get3A_301[%get3A_302, %get3A_303] {strides = array<i32>} : memref<320x128xf32, #tpu.memory_space<vmem>>, vector<1x16xf32>,
        %get3A_305 = vector.shape_cast %get3A_304 : vector<1x16xf32> to vector<16xf32>
        %add3A_306 = arith.addf %add3A_295, %get3A_305 : vector<16xf32>
        %swap3A_307 = arith.index_cast %scan3A_140 : i32 to index
        %swap3A_308 = arith.constant 32 : index
        %swap3A_309 = tpu.vector_load %arg7[%swap3A_307, %swap3A_308] {strides = array<i32>} : memref<64x128xf32, #tpu.memory_space<vmem>>, vector<1x16xf32>,
        %swap3A_310 = vector.shape_cast %swap3A_309 : vector<1x16xf32> to vector<16xf32>
        %swap3A_311 = vector.shape_cast %add3A_306 : vector<16xf32> to vector<1x16xf32>
        tpu.vector_store %arg7[%swap3A_307, %swap3A_308], %swap3A_311 {strides = array<i32>} : memref<64x128xf32, #tpu.memory_space<vmem>>, vector<1x16xf32>,
        %get3A_312 = arith.constant 0 : i32
        %get3A_313 = arith.constant 0 : i32
        %get3A_314 = tpu.memref_slice %arg6[%scan3A_91, %get3A_312, %get3A_313] : memref<2x320x128xf32, #tpu.memory_space<vmem>> -> memref<1x320x128xf32, #tpu.memory_space<vmem>>
        %get3A_315 = tpu.memref_squeeze %get3A_314 : memref<1x320x128xf32, #tpu.memory_space<vmem>> -> memref<320x128xf32, #tpu.memory_space<vmem>>
        %get3A_316 = arith.index_cast %mul3A_142 : i32 to index
        %get3A_317 = arith.constant 48 : index
        %get3A_318 = tpu.vector_load %get3A_315[%get3A_316, %get3A_317] {strides = array<i32>} : memref<320x128xf32, #tpu.memory_space<vmem>>, vector<1x16xf32>,
        %get3A_319 = vector.shape_cast %get3A_318 : vector<1x16xf32> to vector<16xf32>
        %add3A_320 = arith.constant 1 : i32
        %add3A_321 = arith.addi %mul3A_142, %add3A_320 : i32
        %get3A_322 = arith.constant 0 : i32
        %get3A_323 = arith.constant 0 : i32
        %get3A_324 = tpu.memref_slice %arg6[%scan3A_91, %get3A_322, %get3A_323] : memref<2x320x128xf32, #tpu.memory_space<vmem>> -> memref<1x320x128xf32, #tpu.memory_space<vmem>>
        %get3A_325 = tpu.memref_squeeze %get3A_324 : memref<1x320x128xf32, #tpu.memory_space<vmem>> -> memref<320x128xf32, #tpu.memory_space<vmem>>
        %get3A_326 = arith.index_cast %add3A_321 : i32 to index
        %get3A_327 = arith.constant 48 : index
        %get3A_328 = tpu.vector_load %get3A_325[%get3A_326, %get3A_327] {strides = array<i32>} : memref<320x128xf32, #tpu.memory_space<vmem>>, vector<1x16xf32>,
        %get3A_329 = vector.shape_cast %get3A_328 : vector<1x16xf32> to vector<16xf32>
        %add3A_330 = arith.addf %get3A_319, %get3A_329 : vector<16xf32>
        %add3A_331 = arith.constant 2 : i32
        %add3A_332 = arith.addi %mul3A_142, %add3A_331 : i32
        %get3A_333 = arith.constant 0 : i32
        %get3A_334 = arith.constant 0 : i32
        %get3A_335 = tpu.memref_slice %arg6[%scan3A_91, %get3A_333, %get3A_334] : memref<2x320x128xf32, #tpu.memory_space<vmem>> -> memref<1x320x128xf32, #tpu.memory_space<vmem>>
        %get3A_336 = tpu.memref_squeeze %get3A_335 : memref<1x320x128xf32, #tpu.memory_space<vmem>> -> memref<320x128xf32, #tpu.memory_space<vmem>>
        %get3A_337 = arith.index_cast %add3A_332 : i32 to index
        %get3A_338 = arith.constant 48 : index
        %get3A_339 = tpu.vector_load %get3A_336[%get3A_337, %get3A_338] {strides = array<i32>} : memref<320x128xf32, #tpu.memory_space<vmem>>, vector<1x16xf32>,
        %get3A_340 = vector.shape_cast %get3A_339 : vector<1x16xf32> to vector<16xf32>
        %add3A_341 = arith.addf %add3A_330, %get3A_340 : vector<16xf32>
        %add3A_342 = arith.constant 3 : i32
        %add3A_343 = arith.addi %mul3A_142, %add3A_342 : i32
        %get3A_344 = arith.constant 0 : i32
        %get3A_345 = arith.constant 0 : i32
        %get3A_346 = tpu.memref_slice %arg6[%scan3A_91, %get3A_344, %get3A_345] : memref<2x320x128xf32, #tpu.memory_space<vmem>> -> memref<1x320x128xf32, #tpu.memory_space<vmem>>
        %get3A_347 = tpu.memref_squeeze %get3A_346 : memref<1x320x128xf32, #tpu.memory_space<vmem>> -> memref<320x128xf32, #tpu.memory_space<vmem>>
        %get3A_348 = arith.index_cast %add3A_343 : i32 to index
        %get3A_349 = arith.constant 48 : index
        %get3A_350 = tpu.vector_load %get3A_347[%get3A_348, %get3A_349] {strides = array<i32>} : memref<320x128xf32, #tpu.memory_space<vmem>>, vector<1x16xf32>,
        %get3A_351 = vector.shape_cast %get3A_350 : vector<1x16xf32> to vector<16xf32>
        %add3A_352 = arith.addf %add3A_341, %get3A_351 : vector<16xf32>
        %add3A_353 = arith.constant 4 : i32
        %add3A_354 = arith.addi %mul3A_142, %add3A_353 : i32
        %get3A_355 = arith.constant 0 : i32
        %get3A_356 = arith.constant 0 : i32
        %get3A_357 = tpu.memref_slice %arg6[%scan3A_91, %get3A_355, %get3A_356] : memref<2x320x128xf32, #tpu.memory_space<vmem>> -> memref<1x320x128xf32, #tpu.memory_space<vmem>>
        %get3A_358 = tpu.memref_squeeze %get3A_357 : memref<1x320x128xf32, #tpu.memory_space<vmem>> -> memref<320x128xf32, #tpu.memory_space<vmem>>
        %get3A_359 = arith.index_cast %add3A_354 : i32 to index
        %get3A_360 = arith.constant 48 : index
        %get3A_361 = tpu.vector_load %get3A_358[%get3A_359, %get3A_360] {strides = array<i32>} : memref<320x128xf32, #tpu.memory_space<vmem>>, vector<1x16xf32>,
        %get3A_362 = vector.shape_cast %get3A_361 : vector<1x16xf32> to vector<16xf32>
        %add3A_363 = arith.addf %add3A_352, %get3A_362 : vector<16xf32>
        %swap3A_364 = arith.index_cast %scan3A_140 : i32 to index
        %swap3A_365 = arith.constant 48 : index
        %swap3A_366 = tpu.vector_load %arg7[%swap3A_364, %swap3A_365] {strides = array<i32>} : memref<64x128xf32, #tpu.memory_space<vmem>>, vector<1x16xf32>,
        %swap3A_367 = vector.shape_cast %swap3A_366 : vector<1x16xf32> to vector<16xf32>
        %swap3A_368 = vector.shape_cast %add3A_363 : vector<16xf32> to vector<1x16xf32>
        tpu.vector_store %arg7[%swap3A_364, %swap3A_365], %swap3A_368 {strides = array<i32>} : memref<64x128xf32, #tpu.memory_space<vmem>>, vector<1x16xf32>,
        %get3A_369 = arith.constant 0 : i32
        %get3A_370 = arith.constant 0 : i32
        %get3A_371 = tpu.memref_slice %arg6[%scan3A_91, %get3A_369, %get3A_370] : memref<2x320x128xf32, #tpu.memory_space<vmem>> -> memref<1x320x128xf32, #tpu.memory_space<vmem>>
        %get3A_372 = tpu.memref_squeeze %get3A_371 : memref<1x320x128xf32, #tpu.memory_space<vmem>> -> memref<320x128xf32, #tpu.memory_space<vmem>>
        %get3A_373 = arith.index_cast %mul3A_142 : i32 to index
        %get3A_374 = arith.constant 64 : index
        %get3A_375 = tpu.vector_load %get3A_372[%get3A_373, %get3A_374] {strides = array<i32>} : memref<320x128xf32, #tpu.memory_space<vmem>>, vector<1x16xf32>,
        %get3A_376 = vector.shape_cast %get3A_375 : vector<1x16xf32> to vector<16xf32>
        %add3A_377 = arith.constant 1 : i32
        %add3A_378 = arith.addi %mul3A_142, %add3A_377 : i32
        %get3A_379 = arith.constant 0 : i32
        %get3A_380 = arith.constant 0 : i32
        %get3A_381 = tpu.memref_slice %arg6[%scan3A_91, %get3A_379, %get3A_380] : memref<2x320x128xf32, #tpu.memory_space<vmem>> -> memref<1x320x128xf32, #tpu.memory_space<vmem>>
        %get3A_382 = tpu.memref_squeeze %get3A_381 : memref<1x320x128xf32, #tpu.memory_space<vmem>> -> memref<320x128xf32, #tpu.memory_space<vmem>>
        %get3A_383 = arith.index_cast %add3A_378 : i32 to index
        %get3A_384 = arith.constant 64 : index
        %get3A_385 = tpu.vector_load %get3A_382[%get3A_383, %get3A_384] {strides = array<i32>} : memref<320x128xf32, #tpu.memory_space<vmem>>, vector<1x16xf32>,
        %get3A_386 = vector.shape_cast %get3A_385 : vector<1x16xf32> to vector<16xf32>
        %add3A_387 = arith.addf %get3A_376, %get3A_386 : vector<16xf32>
        %add3A_388 = arith.constant 2 : i32
        %add3A_389 = arith.addi %mul3A_142, %add3A_388 : i32
        %get3A_390 = arith.constant 0 : i32
        %get3A_391 = arith.constant 0 : i32
        %get3A_392 = tpu.memref_slice %arg6[%scan3A_91, %get3A_390, %get3A_391] : memref<2x320x128xf32, #tpu.memory_space<vmem>> -> memref<1x320x128xf32, #tpu.memory_space<vmem>>
        %get3A_393 = tpu.memref_squeeze %get3A_392 : memref<1x320x128xf32, #tpu.memory_space<vmem>> -> memref<320x128xf32, #tpu.memory_space<vmem>>
        %get3A_394 = arith.index_cast %add3A_389 : i32 to index
        %get3A_395 = arith.constant 64 : index
        %get3A_396 = tpu.vector_load %get3A_393[%get3A_394, %get3A_395] {strides = array<i32>} : memref<320x128xf32, #tpu.memory_space<vmem>>, vector<1x16xf32>,
        %get3A_397 = vector.shape_cast %get3A_396 : vector<1x16xf32> to vector<16xf32>
        %add3A_398 = arith.addf %add3A_387, %get3A_397 : vector<16xf32>
        %add3A_399 = arith.constant 3 : i32
        %add3A_400 = arith.addi %mul3A_142, %add3A_399 : i32
        %get3A_401 = arith.constant 0 : i32
        %get3A_402 = arith.constant 0 : i32
        %get3A_403 = tpu.memref_slice %arg6[%scan3A_91, %get3A_401, %get3A_402] : memref<2x320x128xf32, #tpu.memory_space<vmem>> -> memref<1x320x128xf32, #tpu.memory_space<vmem>>
        %get3A_404 = tpu.memref_squeeze %get3A_403 : memref<1x320x128xf32, #tpu.memory_space<vmem>> -> memref<320x128xf32, #tpu.memory_space<vmem>>
        %get3A_405 = arith.index_cast %add3A_400 : i32 to index
        %get3A_406 = arith.constant 64 : index
        %get3A_407 = tpu.vector_load %get3A_404[%get3A_405, %get3A_406] {strides = array<i32>} : memref<320x128xf32, #tpu.memory_space<vmem>>, vector<1x16xf32>,
        %get3A_408 = vector.shape_cast %get3A_407 : vector<1x16xf32> to vector<16xf32>
        %add3A_409 = arith.addf %add3A_398, %get3A_408 : vector<16xf32>
        %add3A_410 = arith.constant 4 : i32
        %add3A_411 = arith.addi %mul3A_142, %add3A_410 : i32
        %get3A_412 = arith.constant 0 : i32
        %get3A_413 = arith.constant 0 : i32
        %get3A_414 = tpu.memref_slice %arg6[%scan3A_91, %get3A_412, %get3A_413] : memref<2x320x128xf32, #tpu.memory_space<vmem>> -> memref<1x320x128xf32, #tpu.memory_space<vmem>>
        %get3A_415 = tpu.memref_squeeze %get3A_414 : memref<1x320x128xf32, #tpu.memory_space<vmem>> -> memref<320x128xf32, #tpu.memory_space<vmem>>
        %get3A_416 = arith.index_cast %add3A_411 : i32 to index
        %get3A_417 = arith.constant 64 : index
        %get3A_418 = tpu.vector_load %get3A_415[%get3A_416, %get3A_417] {strides = array<i32>} : memref<320x128xf32, #tpu.memory_space<vmem>>, vector<1x16xf32>,
        %get3A_419 = vector.shape_cast %get3A_418 : vector<1x16xf32> to vector<16xf32>
        %add3A_420 = arith.addf %add3A_409, %get3A_419 : vector<16xf32>
        %swap3A_421 = arith.index_cast %scan3A_140 : i32 to index
        %swap3A_422 = arith.constant 64 : index
        %swap3A_423 = tpu.vector_load %arg7[%swap3A_421, %swap3A_422] {strides = array<i32>} : memref<64x128xf32, #tpu.memory_space<vmem>>, vector<1x16xf32>,
        %swap3A_424 = vector.shape_cast %swap3A_423 : vector<1x16xf32> to vector<16xf32>
        %swap3A_425 = vector.shape_cast %add3A_420 : vector<16xf32> to vector<1x16xf32>
        tpu.vector_store %arg7[%swap3A_421, %swap3A_422], %swap3A_425 {strides = array<i32>} : memref<64x128xf32, #tpu.memory_space<vmem>>, vector<1x16xf32>,
        %get3A_426 = arith.constant 0 : i32
        %get3A_427 = arith.constant 0 : i32
        %get3A_428 = tpu.memref_slice %arg6[%scan3A_91, %get3A_426, %get3A_427] : memref<2x320x128xf32, #tpu.memory_space<vmem>> -> memref<1x320x128xf32, #tpu.memory_space<vmem>>
        %get3A_429 = tpu.memref_squeeze %get3A_428 : memref<1x320x128xf32, #tpu.memory_space<vmem>> -> memref<320x128xf32, #tpu.memory_space<vmem>>
        %get3A_430 = arith.index_cast %mul3A_142 : i32 to index
        %get3A_431 = arith.constant 80 : index
        %get3A_432 = tpu.vector_load %get3A_429[%get3A_430, %get3A_431] {strides = array<i32>} : memref<320x128xf32, #tpu.memory_space<vmem>>, vector<1x16xf32>,
        %get3A_433 = vector.shape_cast %get3A_432 : vector<1x16xf32> to vector<16xf32>
        %add3A_434 = arith.constant 1 : i32
        %add3A_435 = arith.addi %mul3A_142, %add3A_434 : i32
        %get3A_436 = arith.constant 0 : i32
        %get3A_437 = arith.constant 0 : i32
        %get3A_438 = tpu.memref_slice %arg6[%scan3A_91, %get3A_436, %get3A_437] : memref<2x320x128xf32, #tpu.memory_space<vmem>> -> memref<1x320x128xf32, #tpu.memory_space<vmem>>
        %get3A_439 = tpu.memref_squeeze %get3A_438 : memref<1x320x128xf32, #tpu.memory_space<vmem>> -> memref<320x128xf32, #tpu.memory_space<vmem>>
        %get3A_440 = arith.index_cast %add3A_435 : i32 to index
        %get3A_441 = arith.constant 80 : index
        %get3A_442 = tpu.vector_load %get3A_439[%get3A_440, %get3A_441] {strides = array<i32>} : memref<320x128xf32, #tpu.memory_space<vmem>>, vector<1x16xf32>,
        %get3A_443 = vector.shape_cast %get3A_442 : vector<1x16xf32> to vector<16xf32>
        %add3A_444 = arith.addf %get3A_433, %get3A_443 : vector<16xf32>
        %add3A_445 = arith.constant 2 : i32
        %add3A_446 = arith.addi %mul3A_142, %add3A_445 : i32
        %get3A_447 = arith.constant 0 : i32
        %get3A_448 = arith.constant 0 : i32
        %get3A_449 = tpu.memref_slice %arg6[%scan3A_91, %get3A_447, %get3A_448] : memref<2x320x128xf32, #tpu.memory_space<vmem>> -> memref<1x320x128xf32, #tpu.memory_space<vmem>>
        %get3A_450 = tpu.memref_squeeze %get3A_449 : memref<1x320x128xf32, #tpu.memory_space<vmem>> -> memref<320x128xf32, #tpu.memory_space<vmem>>
        %get3A_451 = arith.index_cast %add3A_446 : i32 to index
        %get3A_452 = arith.constant 80 : index
        %get3A_453 = tpu.vector_load %get3A_450[%get3A_451, %get3A_452] {strides = array<i32>} : memref<320x128xf32, #tpu.memory_space<vmem>>, vector<1x16xf32>,
        %get3A_454 = vector.shape_cast %get3A_453 : vector<1x16xf32> to vector<16xf32>
        %add3A_455 = arith.addf %add3A_444, %get3A_454 : vector<16xf32>
        %add3A_456 = arith.constant 3 : i32
        %add3A_457 = arith.addi %mul3A_142, %add3A_456 : i32
        %get3A_458 = arith.constant 0 : i32
        %get3A_459 = arith.constant 0 : i32
        %get3A_460 = tpu.memref_slice %arg6[%scan3A_91, %get3A_458, %get3A_459] : memref<2x320x128xf32, #tpu.memory_space<vmem>> -> memref<1x320x128xf32, #tpu.memory_space<vmem>>
        %get3A_461 = tpu.memref_squeeze %get3A_460 : memref<1x320x128xf32, #tpu.memory_space<vmem>> -> memref<320x128xf32, #tpu.memory_space<vmem>>
        %get3A_462 = arith.index_cast %add3A_457 : i32 to index
        %get3A_463 = arith.constant 80 : index
        %get3A_464 = tpu.vector_load %get3A_461[%get3A_462, %get3A_463] {strides = array<i32>} : memref<320x128xf32, #tpu.memory_space<vmem>>, vector<1x16xf32>,
        %get3A_465 = vector.shape_cast %get3A_464 : vector<1x16xf32> to vector<16xf32>
        %add3A_466 = arith.addf %add3A_455, %get3A_465 : vector<16xf32>
        %add3A_467 = arith.constant 4 : i32
        %add3A_468 = arith.addi %mul3A_142, %add3A_467 : i32
        %get3A_469 = arith.constant 0 : i32
        %get3A_470 = arith.constant 0 : i32
        %get3A_471 = tpu.memref_slice %arg6[%scan3A_91, %get3A_469, %get3A_470] : memref<2x320x128xf32, #tpu.memory_space<vmem>> -> memref<1x320x128xf32, #tpu.memory_space<vmem>>
        %get3A_472 = tpu.memref_squeeze %get3A_471 : memref<1x320x128xf32, #tpu.memory_space<vmem>> -> memref<320x128xf32, #tpu.memory_space<vmem>>
        %get3A_473 = arith.index_cast %add3A_468 : i32 to index
        %get3A_474 = arith.constant 80 : index
        %get3A_475 = tpu.vector_load %get3A_472[%get3A_473, %get3A_474] {strides = array<i32>} : memref<320x128xf32, #tpu.memory_space<vmem>>, vector<1x16xf32>,
        %get3A_476 = vector.shape_cast %get3A_475 : vector<1x16xf32> to vector<16xf32>
        %add3A_477 = arith.addf %add3A_466, %get3A_476 : vector<16xf32>
        %swap3A_478 = arith.index_cast %scan3A_140 : i32 to index
        %swap3A_479 = arith.constant 80 : index
        %swap3A_480 = tpu.vector_load %arg7[%swap3A_478, %swap3A_479] {strides = array<i32>} : memref<64x128xf32, #tpu.memory_space<vmem>>, vector<1x16xf32>,
        %swap3A_481 = vector.shape_cast %swap3A_480 : vector<1x16xf32> to vector<16xf32>
        %swap3A_482 = vector.shape_cast %add3A_477 : vector<16xf32> to vector<1x16xf32>
        tpu.vector_store %arg7[%swap3A_478, %swap3A_479], %swap3A_482 {strides = array<i32>} : memref<64x128xf32, #tpu.memory_space<vmem>>, vector<1x16xf32>,
        %get3A_483 = arith.constant 0 : i32
        %get3A_484 = arith.constant 0 : i32
        %get3A_485 = tpu.memref_slice %arg6[%scan3A_91, %get3A_483, %get3A_484] : memref<2x320x128xf32, #tpu.memory_space<vmem>> -> memref<1x320x128xf32, #tpu.memory_space<vmem>>
        %get3A_486 = tpu.memref_squeeze %get3A_485 : memref<1x320x128xf32, #tpu.memory_space<vmem>> -> memref<320x128xf32, #tpu.memory_space<vmem>>
        %get3A_487 = arith.index_cast %mul3A_142 : i32 to index
        %get3A_488 = arith.constant 96 : index
        %get3A_489 = tpu.vector_load %get3A_486[%get3A_487, %get3A_488] {strides = array<i32>} : memref<320x128xf32, #tpu.memory_space<vmem>>, vector<1x16xf32>,
        %get3A_490 = vector.shape_cast %get3A_489 : vector<1x16xf32> to vector<16xf32>
        %add3A_491 = arith.constant 1 : i32
        %add3A_492 = arith.addi %mul3A_142, %add3A_491 : i32
        %get3A_493 = arith.constant 0 : i32
        %get3A_494 = arith.constant 0 : i32
        %get3A_495 = tpu.memref_slice %arg6[%scan3A_91, %get3A_493, %get3A_494] : memref<2x320x128xf32, #tpu.memory_space<vmem>> -> memref<1x320x128xf32, #tpu.memory_space<vmem>>
        %get3A_496 = tpu.memref_squeeze %get3A_495 : memref<1x320x128xf32, #tpu.memory_space<vmem>> -> memref<320x128xf32, #tpu.memory_space<vmem>>
        %get3A_497 = arith.index_cast %add3A_492 : i32 to index
        %get3A_498 = arith.constant 96 : index
        %get3A_499 = tpu.vector_load %get3A_496[%get3A_497, %get3A_498] {strides = array<i32>} : memref<320x128xf32, #tpu.memory_space<vmem>>, vector<1x16xf32>,
        %get3A_500 = vector.shape_cast %get3A_499 : vector<1x16xf32> to vector<16xf32>
        %add3A_501 = arith.addf %get3A_490, %get3A_500 : vector<16xf32>
        %add3A_502 = arith.constant 2 : i32
        %add3A_503 = arith.addi %mul3A_142, %add3A_502 : i32
        %get3A_504 = arith.constant 0 : i32
        %get3A_505 = arith.constant 0 : i32
        %get3A_506 = tpu.memref_slice %arg6[%scan3A_91, %get3A_504, %get3A_505] : memref<2x320x128xf32, #tpu.memory_space<vmem>> -> memref<1x320x128xf32, #tpu.memory_space<vmem>>
        %get3A_507 = tpu.memref_squeeze %get3A_506 : memref<1x320x128xf32, #tpu.memory_space<vmem>> -> memref<320x128xf32, #tpu.memory_space<vmem>>
        %get3A_508 = arith.index_cast %add3A_503 : i32 to index
        %get3A_509 = arith.constant 96 : index
        %get3A_510 = tpu.vector_load %get3A_507[%get3A_508, %get3A_509] {strides = array<i32>} : memref<320x128xf32, #tpu.memory_space<vmem>>, vector<1x16xf32>,
        %get3A_511 = vector.shape_cast %get3A_510 : vector<1x16xf32> to vector<16xf32>
        %add3A_512 = arith.addf %add3A_501, %get3A_511 : vector<16xf32>
        %add3A_513 = arith.constant 3 : i32
        %add3A_514 = arith.addi %mul3A_142, %add3A_513 : i32
        %get3A_515 = arith.constant 0 : i32
        %get3A_516 = arith.constant 0 : i32
        %get3A_517 = tpu.memref_slice %arg6[%scan3A_91, %get3A_515, %get3A_516] : memref<2x320x128xf32, #tpu.memory_space<vmem>> -> memref<1x320x128xf32, #tpu.memory_space<vmem>>
        %get3A_518 = tpu.memref_squeeze %get3A_517 : memref<1x320x128xf32, #tpu.memory_space<vmem>> -> memref<320x128xf32, #tpu.memory_space<vmem>>
        %get3A_519 = arith.index_cast %add3A_514 : i32 to index
        %get3A_520 = arith.constant 96 : index
        %get3A_521 = tpu.vector_load %get3A_518[%get3A_519, %get3A_520] {strides = array<i32>} : memref<320x128xf32, #tpu.memory_space<vmem>>, vector<1x16xf32>,
        %get3A_522 = vector.shape_cast %get3A_521 : vector<1x16xf32> to vector<16xf32>
        %add3A_523 = arith.addf %add3A_512, %get3A_522 : vector<16xf32>
        %add3A_524 = arith.constant 4 : i32
        %add3A_525 = arith.addi %mul3A_142, %add3A_524 : i32
        %get3A_526 = arith.constant 0 : i32
        %get3A_527 = arith.constant 0 : i32
        %get3A_528 = tpu.memref_slice %arg6[%scan3A_91, %get3A_526, %get3A_527] : memref<2x320x128xf32, #tpu.memory_space<vmem>> -> memref<1x320x128xf32, #tpu.memory_space<vmem>>
        %get3A_529 = tpu.memref_squeeze %get3A_528 : memref<1x320x128xf32, #tpu.memory_space<vmem>> -> memref<320x128xf32, #tpu.memory_space<vmem>>
        %get3A_530 = arith.index_cast %add3A_525 : i32 to index
        %get3A_531 = arith.constant 96 : index
        %get3A_532 = tpu.vector_load %get3A_529[%get3A_530, %get3A_531] {strides = array<i32>} : memref<320x128xf32, #tpu.memory_space<vmem>>, vector<1x16xf32>,
        %get3A_533 = vector.shape_cast %get3A_532 : vector<1x16xf32> to vector<16xf32>
        %add3A_534 = arith.addf %add3A_523, %get3A_533 : vector<16xf32>
        %swap3A_535 = arith.index_cast %scan3A_140 : i32 to index
        %swap3A_536 = arith.constant 96 : index
        %swap3A_537 = tpu.vector_load %arg7[%swap3A_535, %swap3A_536] {strides = array<i32>} : memref<64x128xf32, #tpu.memory_space<vmem>>, vector<1x16xf32>,
        %swap3A_538 = vector.shape_cast %swap3A_537 : vector<1x16xf32> to vector<16xf32>
        %swap3A_539 = vector.shape_cast %add3A_534 : vector<16xf32> to vector<1x16xf32>
        tpu.vector_store %arg7[%swap3A_535, %swap3A_536], %swap3A_539 {strides = array<i32>} : memref<64x128xf32, #tpu.memory_space<vmem>>, vector<1x16xf32>,
        %get3A_540 = arith.constant 0 : i32
        %get3A_541 = arith.constant 0 : i32
        %get3A_542 = tpu.memref_slice %arg6[%scan3A_91, %get3A_540, %get3A_541] : memref<2x320x128xf32, #tpu.memory_space<vmem>> -> memref<1x320x128xf32, #tpu.memory_space<vmem>>
        %get3A_543 = tpu.memref_squeeze %get3A_542 : memref<1x320x128xf32, #tpu.memory_space<vmem>> -> memref<320x128xf32, #tpu.memory_space<vmem>>
        %get3A_544 = arith.index_cast %mul3A_142 : i32 to index
        %get3A_545 = arith.constant 112 : index
        %get3A_546 = tpu.vector_load %get3A_543[%get3A_544, %get3A_545] {strides = array<i32>} : memref<320x128xf32, #tpu.memory_space<vmem>>, vector<1x16xf32>,
        %get3A_547 = vector.shape_cast %get3A_546 : vector<1x16xf32> to vector<16xf32>
        %add3A_548 = arith.constant 1 : i32
        %add3A_549 = arith.addi %mul3A_142, %add3A_548 : i32
        %get3A_550 = arith.constant 0 : i32
        %get3A_551 = arith.constant 0 : i32
        %get3A_552 = tpu.memref_slice %arg6[%scan3A_91, %get3A_550, %get3A_551] : memref<2x320x128xf32, #tpu.memory_space<vmem>> -> memref<1x320x128xf32, #tpu.memory_space<vmem>>
        %get3A_553 = tpu.memref_squeeze %get3A_552 : memref<1x320x128xf32, #tpu.memory_space<vmem>> -> memref<320x128xf32, #tpu.memory_space<vmem>>
        %get3A_554 = arith.index_cast %add3A_549 : i32 to index
        %get3A_555 = arith.constant 112 : index
        %get3A_556 = tpu.vector_load %get3A_553[%get3A_554, %get3A_555] {strides = array<i32>} : memref<320x128xf32, #tpu.memory_space<vmem>>, vector<1x16xf32>,
        %get3A_557 = vector.shape_cast %get3A_556 : vector<1x16xf32> to vector<16xf32>
        %add3A_558 = arith.addf %get3A_547, %get3A_557 : vector<16xf32>
        %add3A_559 = arith.constant 2 : i32
        %add3A_560 = arith.addi %mul3A_142, %add3A_559 : i32
        %get3A_561 = arith.constant 0 : i32
        %get3A_562 = arith.constant 0 : i32
        %get3A_563 = tpu.memref_slice %arg6[%scan3A_91, %get3A_561, %get3A_562] : memref<2x320x128xf32, #tpu.memory_space<vmem>> -> memref<1x320x128xf32, #tpu.memory_space<vmem>>
        %get3A_564 = tpu.memref_squeeze %get3A_563 : memref<1x320x128xf32, #tpu.memory_space<vmem>> -> memref<320x128xf32, #tpu.memory_space<vmem>>
        %get3A_565 = arith.index_cast %add3A_560 : i32 to index
        %get3A_566 = arith.constant 112 : index
        %get3A_567 = tpu.vector_load %get3A_564[%get3A_565, %get3A_566] {strides = array<i32>} : memref<320x128xf32, #tpu.memory_space<vmem>>, vector<1x16xf32>,
        %get3A_568 = vector.shape_cast %get3A_567 : vector<1x16xf32> to vector<16xf32>
        %add3A_569 = arith.addf %add3A_558, %get3A_568 : vector<16xf32>
        %add3A_570 = arith.constant 3 : i32
        %add3A_571 = arith.addi %mul3A_142, %add3A_570 : i32
        %get3A_572 = arith.constant 0 : i32
        %get3A_573 = arith.constant 0 : i32
        %get3A_574 = tpu.memref_slice %arg6[%scan3A_91, %get3A_572, %get3A_573] : memref<2x320x128xf32, #tpu.memory_space<vmem>> -> memref<1x320x128xf32, #tpu.memory_space<vmem>>
        %get3A_575 = tpu.memref_squeeze %get3A_574 : memref<1x320x128xf32, #tpu.memory_space<vmem>> -> memref<320x128xf32, #tpu.memory_space<vmem>>
        %get3A_576 = arith.index_cast %add3A_571 : i32 to index
        %get3A_577 = arith.constant 112 : index
        %get3A_578 = tpu.vector_load %get3A_575[%get3A_576, %get3A_577] {strides = array<i32>} : memref<320x128xf32, #tpu.memory_space<vmem>>, vector<1x16xf32>,
        %get3A_579 = vector.shape_cast %get3A_578 : vector<1x16xf32> to vector<16xf32>
        %add3A_580 = arith.addf %add3A_569, %get3A_579 : vector<16xf32>
        %add3A_581 = arith.constant 4 : i32
        %add3A_582 = arith.addi %mul3A_142, %add3A_581 : i32
        %get3A_583 = arith.constant 0 : i32
        %get3A_584 = arith.constant 0 : i32
        %get3A_585 = tpu.memref_slice %arg6[%scan3A_91, %get3A_583, %get3A_584] : memref<2x320x128xf32, #tpu.memory_space<vmem>> -> memref<1x320x128xf32, #tpu.memory_space<vmem>>
        %get3A_586 = tpu.memref_squeeze %get3A_585 : memref<1x320x128xf32, #tpu.memory_space<vmem>> -> memref<320x128xf32, #tpu.memory_space<vmem>>
        %get3A_587 = arith.index_cast %add3A_582 : i32 to index
        %get3A_588 = arith.constant 112 : index
        %get3A_589 = tpu.vector_load %get3A_586[%get3A_587, %get3A_588] {strides = array<i32>} : memref<320x128xf32, #tpu.memory_space<vmem>>, vector<1x16xf32>,
        %get3A_590 = vector.shape_cast %get3A_589 : vector<1x16xf32> to vector<16xf32>
        %add3A_591 = arith.addf %add3A_580, %get3A_590 : vector<16xf32>
        %swap3A_592 = arith.index_cast %scan3A_140 : i32 to index
        %swap3A_593 = arith.constant 112 : index
        %swap3A_594 = tpu.vector_load %arg7[%swap3A_592, %swap3A_593] {strides = array<i32>} : memref<64x128xf32, #tpu.memory_space<vmem>>, vector<1x16xf32>,
        %swap3A_595 = vector.shape_cast %swap3A_594 : vector<1x16xf32> to vector<16xf32>
        %swap3A_596 = vector.shape_cast %add3A_591 : vector<16xf32> to vector<1x16xf32>
        tpu.vector_store %arg7[%swap3A_592, %swap3A_593], %swap3A_596 {strides = array<i32>} : memref<64x128xf32, #tpu.memory_space<vmem>>, vector<1x16xf32>,
      }
      %scan3A_96 = arith.constant 64 : i32
      %mul3A_97 = arith.constant 16 : i32
      %mul3A_98 = arith.muli %mul3A_2, %mul3A_97 : i32
      %mul3A_99 = arith.constant 64 : i32
      %mul3A_100 = arith.muli %add3A_71, %mul3A_99 : i32
      %add3A_101 = arith.addi %mul3A_98, %mul3A_100 : i32
      "tpu.region"() ({
        %run_scoped3A = tpu.sem_alloc : memref<!tpu.dma_semaphore, #tpu.memory_space<semaphore_mem>>
        %dma_start3A_140 = arith.constant 0 : i32
        %dma_start3A_141 = tpu.memref_slice %arg4[%add3A_101, %dma_start3A_140] : memref<53248x128xf32, #tpu.memory_space<hbm>> -> memref<64x128xf32, #tpu.memory_space<hbm>>
        %dma_start3A_142 = arith.constant 0 : i32
        %dma_start3A_143 = tpu.memref_slice %arg4[%add3A_101, %dma_start3A_142] : memref<53248x128xf32, #tpu.memory_space<hbm>> -> memref<64x128xf32, #tpu.memory_space<hbm>>
        tpu.enqueue_dma source(%arg7 : memref<64x128xf32, #tpu.memory_space<vmem>>) target(%dma_start3A_143 : memref<64x128xf32, #tpu.memory_space<hbm>>) target_semaphore(%run_scoped3A : memref<!tpu.dma_semaphore, #tpu.memory_space<semaphore_mem>>)
        %dma_wait3A_144 = arith.constant 0 : i32
        %dma_wait3A_145 = tpu.memref_slice %arg4[%add3A_101, %dma_wait3A_144] : memref<53248x128xf32, #tpu.memory_space<hbm>> -> memref<64x128xf32, #tpu.memory_space<hbm>>
        %dma_wait3A_146 = arith.constant 0 : i32
        %dma_wait3A_147 = tpu.memref_slice %arg4[%add3A_101, %dma_wait3A_146] : memref<53248x128xf32, #tpu.memory_space<hbm>> -> memref<64x128xf32, #tpu.memory_space<hbm>>
        tpu.wait_dma2 semaphore(%run_scoped3A : memref<!tpu.dma_semaphore, #tpu.memory_space<semaphore_mem>>) src(%arg7 : memref<64x128xf32, #tpu.memory_space<vmem>>) dst(%dma_wait3A_147 : memref<64x128xf32, #tpu.memory_space<hbm>>)
        tpu.yield
      }) : () -> ()
      %mul3A_102 = arith.constant 2 : i32
      %mul3A_103 = arith.muli %mul3A_102, %scan3A_67 : i32
      %add3A_104 = arith.constant 1 : i32
      %add3A_105 = arith.addi %mul3A_103, %add3A_104 : i32
      %add3A_106 = arith.constant 1 : i32
      %add3A_107 = arith.addi %add3A_105, %add3A_106 : i32
      %lt3A_108 = arith.constant 26 : i32
      %lt3A_109 = arith.cmpi slt, %add3A_107, %lt3A_108 : i32
      %convert_element_type3A_110 = arith.extui %lt3A_109 : i1 to i32
      %cond3A_111 = arith.constant 0 : i32
      %cond3A_112 = arith.cmpi ne, %convert_element_type3A_110, %cond3A_111 : i32
      scf.if %cond3A_112 {
        %add3A_140 = arith.constant 1 : i32
        %add3A_141 = arith.addi %add3A_105, %add3A_140 : i32
        %mul3A_142 = arith.constant 4 : i32
        %mul3A_143 = arith.muli %add3A_141, %mul3A_142 : i32
        %add3A_144 = arith.constant 0 : i32
        %add3A_145 = arith.addi %mul3A_143, %add3A_144 : i32
        %dma_start3A_146 = arith.constant 0 : i32
        %dma_start3A_147 = arith.constant 0 : i32
        %dma_start3A_148 = arith.constant 0 : i32
        %dma_start3A_149 = tpu.memref_slice %arg6[%dma_start3A_146, %dma_start3A_147, %dma_start3A_148] : memref<2x320x128xf32, #tpu.memory_space<vmem>> -> memref<1x320x128xf32, #tpu.memory_space<vmem>>
        %dma_start3A_150 = tpu.memref_squeeze %dma_start3A_149 : memref<1x320x128xf32, #tpu.memory_space<vmem>> -> memref<320x128xf32, #tpu.memory_space<vmem>>
        %dma_start3A_151 = arith.constant 0 : i32
        %dma_start3A_152 = arith.constant 0 : i32
        %dma_start3A_153 = tpu.memref_slice %dma_start3A_150[%dma_start3A_151, %dma_start3A_152] : memref<320x128xf32, #tpu.memory_space<vmem>> -> memref<80x128xf32, #tpu.memory_space<vmem>>
        %dma_start3A_154 = arith.constant 0 : i32
        %dma_start3A_155 = tpu.memref_slice %arg5[%add3A_145, %dma_start3A_154] : memref<104x80xi32, #tpu.memory_space<vmem>> -> memref<1x80xi32, #tpu.memory_space<vmem>>
        %dma_start3A_156 = tpu.memref_squeeze %dma_start3A_155 : memref<1x80xi32, #tpu.memory_space<vmem>> -> memref<80xi32, #tpu.memory_space<vmem>>
        %dma_start3A_157 = arith.constant 0 : i32
        %dma_start3A_158 = arith.constant 0 : i32
        %dma_start3A_159 = tpu.memref_slice %arg2[%dma_start3A_157, %dma_start3A_158] : memref<50000x128xf32, #tpu.memory_space<hbm>> -> memref<50000x128xf32, #tpu.memory_space<hbm>>
        tpu.enqueue_indirect_dma source(%dma_start3A_159 : memref<50000x128xf32, #tpu.memory_space<hbm>>) target(%dma_start3A_153 : memref<80x128xf32, #tpu.memory_space<vmem>>) offsets(%dma_start3A_156 : memref<80xi32, #tpu.memory_space<vmem>>) semaphore(%arg8 : memref<!tpu.dma_semaphore, #tpu.memory_space<semaphore_mem>>)
        %mul3A_160 = arith.constant 4 : i32
        %mul3A_161 = arith.muli %add3A_141, %mul3A_160 : i32
        %add3A_162 = arith.constant 1 : i32
        %add3A_163 = arith.addi %mul3A_161, %add3A_162 : i32
        %dma_start3A_164 = arith.constant 0 : i32
        %dma_start3A_165 = arith.constant 0 : i32
        %dma_start3A_166 = arith.constant 0 : i32
        %dma_start3A_167 = tpu.memref_slice %arg6[%dma_start3A_164, %dma_start3A_165, %dma_start3A_166] : memref<2x320x128xf32, #tpu.memory_space<vmem>> -> memref<1x320x128xf32, #tpu.memory_space<vmem>>
        %dma_start3A_168 = tpu.memref_squeeze %dma_start3A_167 : memref<1x320x128xf32, #tpu.memory_space<vmem>> -> memref<320x128xf32, #tpu.memory_space<vmem>>
        %dma_start3A_169 = arith.constant 80 : i32
        %dma_start3A_170 = arith.constant 0 : i32
        %dma_start3A_171 = tpu.memref_slice %dma_start3A_168[%dma_start3A_169, %dma_start3A_170] : memref<320x128xf32, #tpu.memory_space<vmem>> -> memref<80x128xf32, #tpu.memory_space<vmem>>
        %dma_start3A_172 = arith.constant 0 : i32
        %dma_start3A_173 = tpu.memref_slice %arg5[%add3A_163, %dma_start3A_172] : memref<104x80xi32, #tpu.memory_space<vmem>> -> memref<1x80xi32, #tpu.memory_space<vmem>>
        %dma_start3A_174 = tpu.memref_squeeze %dma_start3A_173 : memref<1x80xi32, #tpu.memory_space<vmem>> -> memref<80xi32, #tpu.memory_space<vmem>>
        %dma_start3A_175 = arith.constant 0 : i32
        %dma_start3A_176 = arith.constant 0 : i32
        %dma_start3A_177 = tpu.memref_slice %arg2[%dma_start3A_175, %dma_start3A_176] : memref<50000x128xf32, #tpu.memory_space<hbm>> -> memref<50000x128xf32, #tpu.memory_space<hbm>>
        tpu.enqueue_indirect_dma source(%dma_start3A_177 : memref<50000x128xf32, #tpu.memory_space<hbm>>) target(%dma_start3A_171 : memref<80x128xf32, #tpu.memory_space<vmem>>) offsets(%dma_start3A_174 : memref<80xi32, #tpu.memory_space<vmem>>) semaphore(%arg8 : memref<!tpu.dma_semaphore, #tpu.memory_space<semaphore_mem>>)
        %mul3A_178 = arith.constant 4 : i32
        %mul3A_179 = arith.muli %add3A_141, %mul3A_178 : i32
        %add3A_180 = arith.constant 2 : i32
        %add3A_181 = arith.addi %mul3A_179, %add3A_180 : i32
        %dma_start3A_182 = arith.constant 0 : i32
        %dma_start3A_183 = arith.constant 0 : i32
        %dma_start3A_184 = arith.constant 0 : i32
        %dma_start3A_185 = tpu.memref_slice %arg6[%dma_start3A_182, %dma_start3A_183, %dma_start3A_184] : memref<2x320x128xf32, #tpu.memory_space<vmem>> -> memref<1x320x128xf32, #tpu.memory_space<vmem>>
        %dma_start3A_186 = tpu.memref_squeeze %dma_start3A_185 : memref<1x320x128xf32, #tpu.memory_space<vmem>> -> memref<320x128xf32, #tpu.memory_space<vmem>>
        %dma_start3A_187 = arith.constant 160 : i32
        %dma_start3A_188 = arith.constant 0 : i32
        %dma_start3A_189 = tpu.memref_slice %dma_start3A_186[%dma_start3A_187, %dma_start3A_188] : memref<320x128xf32, #tpu.memory_space<vmem>> -> memref<80x128xf32, #tpu.memory_space<vmem>>
        %dma_start3A_190 = arith.constant 0 : i32
        %dma_start3A_191 = tpu.memref_slice %arg5[%add3A_181, %dma_start3A_190] : memref<104x80xi32, #tpu.memory_space<vmem>> -> memref<1x80xi32, #tpu.memory_space<vmem>>
        %dma_start3A_192 = tpu.memref_squeeze %dma_start3A_191 : memref<1x80xi32, #tpu.memory_space<vmem>> -> memref<80xi32, #tpu.memory_space<vmem>>
        %dma_start3A_193 = arith.constant 0 : i32
        %dma_start3A_194 = arith.constant 0 : i32
        %dma_start3A_195 = tpu.memref_slice %arg2[%dma_start3A_193, %dma_start3A_194] : memref<50000x128xf32, #tpu.memory_space<hbm>> -> memref<50000x128xf32, #tpu.memory_space<hbm>>
        tpu.enqueue_indirect_dma source(%dma_start3A_195 : memref<50000x128xf32, #tpu.memory_space<hbm>>) target(%dma_start3A_189 : memref<80x128xf32, #tpu.memory_space<vmem>>) offsets(%dma_start3A_192 : memref<80xi32, #tpu.memory_space<vmem>>) semaphore(%arg8 : memref<!tpu.dma_semaphore, #tpu.memory_space<semaphore_mem>>)
        %mul3A_196 = arith.constant 4 : i32
        %mul3A_197 = arith.muli %add3A_141, %mul3A_196 : i32
        %add3A_198 = arith.constant 3 : i32
        %add3A_199 = arith.addi %mul3A_197, %add3A_198 : i32
        %dma_start3A_200 = arith.constant 0 : i32
        %dma_start3A_201 = arith.constant 0 : i32
        %dma_start3A_202 = arith.constant 0 : i32
        %dma_start3A_203 = tpu.memref_slice %arg6[%dma_start3A_200, %dma_start3A_201, %dma_start3A_202] : memref<2x320x128xf32, #tpu.memory_space<vmem>> -> memref<1x320x128xf32, #tpu.memory_space<vmem>>
        %dma_start3A_204 = tpu.memref_squeeze %dma_start3A_203 : memref<1x320x128xf32, #tpu.memory_space<vmem>> -> memref<320x128xf32, #tpu.memory_space<vmem>>
        %dma_start3A_205 = arith.constant 240 : i32
        %dma_start3A_206 = arith.constant 0 : i32
        %dma_start3A_207 = tpu.memref_slice %dma_start3A_204[%dma_start3A_205, %dma_start3A_206] : memref<320x128xf32, #tpu.memory_space<vmem>> -> memref<80x128xf32, #tpu.memory_space<vmem>>
        %dma_start3A_208 = arith.constant 0 : i32
        %dma_start3A_209 = tpu.memref_slice %arg5[%add3A_199, %dma_start3A_208] : memref<104x80xi32, #tpu.memory_space<vmem>> -> memref<1x80xi32, #tpu.memory_space<vmem>>
        %dma_start3A_210 = tpu.memref_squeeze %dma_start3A_209 : memref<1x80xi32, #tpu.memory_space<vmem>> -> memref<80xi32, #tpu.memory_space<vmem>>
        %dma_start3A_211 = arith.constant 0 : i32
        %dma_start3A_212 = arith.constant 0 : i32
        %dma_start3A_213 = tpu.memref_slice %arg2[%dma_start3A_211, %dma_start3A_212] : memref<50000x128xf32, #tpu.memory_space<hbm>> -> memref<50000x128xf32, #tpu.memory_space<hbm>>
        tpu.enqueue_indirect_dma source(%dma_start3A_213 : memref<50000x128xf32, #tpu.memory_space<hbm>>) target(%dma_start3A_207 : memref<80x128xf32, #tpu.memory_space<vmem>>) offsets(%dma_start3A_210 : memref<80xi32, #tpu.memory_space<vmem>>) semaphore(%arg8 : memref<!tpu.dma_semaphore, #tpu.memory_space<semaphore_mem>>)
      } else {
      }
      %dma_wait3A_113 = arith.constant 1 : i32
      %dma_wait3A_114 = arith.constant 0 : i32
      %dma_wait3A_115 = arith.constant 0 : i32
      %dma_wait3A_116 = tpu.memref_slice %arg6[%dma_wait3A_113, %dma_wait3A_114, %dma_wait3A_115] : memref<2x320x128xf32, #tpu.memory_space<vmem>> -> memref<1x320x128xf32, #tpu.memory_space<vmem>>
      %dma_wait3A_117 = tpu.memref_squeeze %dma_wait3A_116 : memref<1x320x128xf32, #tpu.memory_space<vmem>> -> memref<320x128xf32, #tpu.memory_space<vmem>>
      %dma_wait3A_118 = arith.constant 0 : i32
      %dma_wait3A_119 = arith.constant 0 : i32
      %dma_wait3A_120 = tpu.memref_slice %arg2[%dma_wait3A_118, %dma_wait3A_119] : memref<50000x128xf32, #tpu.memory_space<hbm>> -> memref<320x128xf32, #tpu.memory_space<hbm>>
      %dma_wait3A_121 = arith.constant 0 : i32
      %dma_wait3A_122 = arith.constant 0 : i32
      %dma_wait3A_123 = tpu.memref_slice %arg6[%dma_wait3A_113, %dma_wait3A_121, %dma_wait3A_122] : memref<2x320x128xf32, #tpu.memory_space<vmem>> -> memref<1x320x128xf32, #tpu.memory_space<vmem>>
      %dma_wait3A_124 = tpu.memref_squeeze %dma_wait3A_123 : memref<1x320x128xf32, #tpu.memory_space<vmem>> -> memref<320x128xf32, #tpu.memory_space<vmem>>
      %dma_wait3A_125 = arith.constant 0 : i32
      %dma_wait3A_126 = arith.constant 0 : i32
      %dma_wait3A_127 = tpu.memref_slice %arg2[%dma_wait3A_125, %dma_wait3A_126] : memref<50000x128xf32, #tpu.memory_space<hbm>> -> memref<320x128xf32, #tpu.memory_space<hbm>>
      tpu.wait_dma2 semaphore(%arg9 : memref<!tpu.dma_semaphore, #tpu.memory_space<semaphore_mem>>) src(%dma_wait3A_127 : memref<320x128xf32, #tpu.memory_space<hbm>>) dst(%dma_wait3A_124 : memref<320x128xf32, #tpu.memory_space<vmem>>)
      %scan3A_128 = arith.constant 0 : i32
      %scan3A_129 = arith.constant 1 : i32
      %scan3A_130 = arith.constant 0 : i32
      %scan3A_131 = arith.constant 64 : i32
      %scan3A_132 = arith.addi %scan3A_130, %scan3A_131 : i32
      %scan3A_133 = arith.constant 1 : i32
      scf.for %scan3A_140 = %scan3A_130 to %scan3A_132 step %scan3A_133  : i32 {
        %mul3A_141 = arith.constant 5 : i32
        %mul3A_142 = arith.muli %mul3A_141, %scan3A_140 : i32
        %get3A = arith.constant 0 : i32
        %get3A_143 = arith.constant 0 : i32
        %get3A_144 = tpu.memref_slice %arg6[%scan3A_129, %get3A, %get3A_143] : memref<2x320x128xf32, #tpu.memory_space<vmem>> -> memref<1x320x128xf32, #tpu.memory_space<vmem>>
        %get3A_145 = tpu.memref_squeeze %get3A_144 : memref<1x320x128xf32, #tpu.memory_space<vmem>> -> memref<320x128xf32, #tpu.memory_space<vmem>>
        %get3A_146 = arith.index_cast %mul3A_142 : i32 to index
        %get3A_147 = arith.constant 0 : index
        %get3A_148 = tpu.vector_load %get3A_145[%get3A_146, %get3A_147] {strides = array<i32>} : memref<320x128xf32, #tpu.memory_space<vmem>>, vector<1x16xf32>,
        %get3A_149 = vector.shape_cast %get3A_148 : vector<1x16xf32> to vector<16xf32>
        %add3A_150 = arith.constant 1 : i32
        %add3A_151 = arith.addi %mul3A_142, %add3A_150 : i32
        %get3A_152 = arith.constant 0 : i32
        %get3A_153 = arith.constant 0 : i32
        %get3A_154 = tpu.memref_slice %arg6[%scan3A_129, %get3A_152, %get3A_153] : memref<2x320x128xf32, #tpu.memory_space<vmem>> -> memref<1x320x128xf32, #tpu.memory_space<vmem>>
        %get3A_155 = tpu.memref_squeeze %get3A_154 : memref<1x320x128xf32, #tpu.memory_space<vmem>> -> memref<320x128xf32, #tpu.memory_space<vmem>>
        %get3A_156 = arith.index_cast %add3A_151 : i32 to index
        %get3A_157 = arith.constant 0 : index
        %get3A_158 = tpu.vector_load %get3A_155[%get3A_156, %get3A_157] {strides = array<i32>} : memref<320x128xf32, #tpu.memory_space<vmem>>, vector<1x16xf32>,
        %get3A_159 = vector.shape_cast %get3A_158 : vector<1x16xf32> to vector<16xf32>
        %add3A_160 = arith.addf %get3A_149, %get3A_159 : vector<16xf32>
        %add3A_161 = arith.constant 2 : i32
        %add3A_162 = arith.addi %mul3A_142, %add3A_161 : i32
        %get3A_163 = arith.constant 0 : i32
        %get3A_164 = arith.constant 0 : i32
        %get3A_165 = tpu.memref_slice %arg6[%scan3A_129, %get3A_163, %get3A_164] : memref<2x320x128xf32, #tpu.memory_space<vmem>> -> memref<1x320x128xf32, #tpu.memory_space<vmem>>
        %get3A_166 = tpu.memref_squeeze %get3A_165 : memref<1x320x128xf32, #tpu.memory_space<vmem>> -> memref<320x128xf32, #tpu.memory_space<vmem>>
        %get3A_167 = arith.index_cast %add3A_162 : i32 to index
        %get3A_168 = arith.constant 0 : index
        %get3A_169 = tpu.vector_load %get3A_166[%get3A_167, %get3A_168] {strides = array<i32>} : memref<320x128xf32, #tpu.memory_space<vmem>>, vector<1x16xf32>,
        %get3A_170 = vector.shape_cast %get3A_169 : vector<1x16xf32> to vector<16xf32>
        %add3A_171 = arith.addf %add3A_160, %get3A_170 : vector<16xf32>
        %add3A_172 = arith.constant 3 : i32
        %add3A_173 = arith.addi %mul3A_142, %add3A_172 : i32
        %get3A_174 = arith.constant 0 : i32
        %get3A_175 = arith.constant 0 : i32
        %get3A_176 = tpu.memref_slice %arg6[%scan3A_129, %get3A_174, %get3A_175] : memref<2x320x128xf32, #tpu.memory_space<vmem>> -> memref<1x320x128xf32, #tpu.memory_space<vmem>>
        %get3A_177 = tpu.memref_squeeze %get3A_176 : memref<1x320x128xf32, #tpu.memory_space<vmem>> -> memref<320x128xf32, #tpu.memory_space<vmem>>
        %get3A_178 = arith.index_cast %add3A_173 : i32 to index
        %get3A_179 = arith.constant 0 : index
        %get3A_180 = tpu.vector_load %get3A_177[%get3A_178, %get3A_179] {strides = array<i32>} : memref<320x128xf32, #tpu.memory_space<vmem>>, vector<1x16xf32>,
        %get3A_181 = vector.shape_cast %get3A_180 : vector<1x16xf32> to vector<16xf32>
        %add3A_182 = arith.addf %add3A_171, %get3A_181 : vector<16xf32>
        %add3A_183 = arith.constant 4 : i32
        %add3A_184 = arith.addi %mul3A_142, %add3A_183 : i32
        %get3A_185 = arith.constant 0 : i32
        %get3A_186 = arith.constant 0 : i32
        %get3A_187 = tpu.memref_slice %arg6[%scan3A_129, %get3A_185, %get3A_186] : memref<2x320x128xf32, #tpu.memory_space<vmem>> -> memref<1x320x128xf32, #tpu.memory_space<vmem>>
        %get3A_188 = tpu.memref_squeeze %get3A_187 : memref<1x320x128xf32, #tpu.memory_space<vmem>> -> memref<320x128xf32, #tpu.memory_space<vmem>>
        %get3A_189 = arith.index_cast %add3A_184 : i32 to index
        %get3A_190 = arith.constant 0 : index
        %get3A_191 = tpu.vector_load %get3A_188[%get3A_189, %get3A_190] {strides = array<i32>} : memref<320x128xf32, #tpu.memory_space<vmem>>, vector<1x16xf32>,
        %get3A_192 = vector.shape_cast %get3A_191 : vector<1x16xf32> to vector<16xf32>
        %add3A_193 = arith.addf %add3A_182, %get3A_192 : vector<16xf32>
        %swap3A = arith.index_cast %scan3A_140 : i32 to index
        %swap3A_194 = arith.constant 0 : index
        %swap3A_195 = tpu.vector_load %arg7[%swap3A, %swap3A_194] {strides = array<i32>} : memref<64x128xf32, #tpu.memory_space<vmem>>, vector<1x16xf32>,
        %swap3A_196 = vector.shape_cast %swap3A_195 : vector<1x16xf32> to vector<16xf32>
        %swap3A_197 = vector.shape_cast %add3A_193 : vector<16xf32> to vector<1x16xf32>
        tpu.vector_store %arg7[%swap3A, %swap3A_194], %swap3A_197 {strides = array<i32>} : memref<64x128xf32, #tpu.memory_space<vmem>>, vector<1x16xf32>,
        %get3A_198 = arith.constant 0 : i32
        %get3A_199 = arith.constant 0 : i32
        %get3A_200 = tpu.memref_slice %arg6[%scan3A_129, %get3A_198, %get3A_199] : memref<2x320x128xf32, #tpu.memory_space<vmem>> -> memref<1x320x128xf32, #tpu.memory_space<vmem>>
        %get3A_201 = tpu.memref_squeeze %get3A_200 : memref<1x320x128xf32, #tpu.memory_space<vmem>> -> memref<320x128xf32, #tpu.memory_space<vmem>>
        %get3A_202 = arith.index_cast %mul3A_142 : i32 to index
        %get3A_203 = arith.constant 16 : index
        %get3A_204 = tpu.vector_load %get3A_201[%get3A_202, %get3A_203] {strides = array<i32>} : memref<320x128xf32, #tpu.memory_space<vmem>>, vector<1x16xf32>,
        %get3A_205 = vector.shape_cast %get3A_204 : vector<1x16xf32> to vector<16xf32>
        %add3A_206 = arith.constant 1 : i32
        %add3A_207 = arith.addi %mul3A_142, %add3A_206 : i32
        %get3A_208 = arith.constant 0 : i32
        %get3A_209 = arith.constant 0 : i32
        %get3A_210 = tpu.memref_slice %arg6[%scan3A_129, %get3A_208, %get3A_209] : memref<2x320x128xf32, #tpu.memory_space<vmem>> -> memref<1x320x128xf32, #tpu.memory_space<vmem>>
        %get3A_211 = tpu.memref_squeeze %get3A_210 : memref<1x320x128xf32, #tpu.memory_space<vmem>> -> memref<320x128xf32, #tpu.memory_space<vmem>>
        %get3A_212 = arith.index_cast %add3A_207 : i32 to index
        %get3A_213 = arith.constant 16 : index
        %get3A_214 = tpu.vector_load %get3A_211[%get3A_212, %get3A_213] {strides = array<i32>} : memref<320x128xf32, #tpu.memory_space<vmem>>, vector<1x16xf32>,
        %get3A_215 = vector.shape_cast %get3A_214 : vector<1x16xf32> to vector<16xf32>
        %add3A_216 = arith.addf %get3A_205, %get3A_215 : vector<16xf32>
        %add3A_217 = arith.constant 2 : i32
        %add3A_218 = arith.addi %mul3A_142, %add3A_217 : i32
        %get3A_219 = arith.constant 0 : i32
        %get3A_220 = arith.constant 0 : i32
        %get3A_221 = tpu.memref_slice %arg6[%scan3A_129, %get3A_219, %get3A_220] : memref<2x320x128xf32, #tpu.memory_space<vmem>> -> memref<1x320x128xf32, #tpu.memory_space<vmem>>
        %get3A_222 = tpu.memref_squeeze %get3A_221 : memref<1x320x128xf32, #tpu.memory_space<vmem>> -> memref<320x128xf32, #tpu.memory_space<vmem>>
        %get3A_223 = arith.index_cast %add3A_218 : i32 to index
        %get3A_224 = arith.constant 16 : index
        %get3A_225 = tpu.vector_load %get3A_222[%get3A_223, %get3A_224] {strides = array<i32>} : memref<320x128xf32, #tpu.memory_space<vmem>>, vector<1x16xf32>,
        %get3A_226 = vector.shape_cast %get3A_225 : vector<1x16xf32> to vector<16xf32>
        %add3A_227 = arith.addf %add3A_216, %get3A_226 : vector<16xf32>
        %add3A_228 = arith.constant 3 : i32
        %add3A_229 = arith.addi %mul3A_142, %add3A_228 : i32
        %get3A_230 = arith.constant 0 : i32
        %get3A_231 = arith.constant 0 : i32
        %get3A_232 = tpu.memref_slice %arg6[%scan3A_129, %get3A_230, %get3A_231] : memref<2x320x128xf32, #tpu.memory_space<vmem>> -> memref<1x320x128xf32, #tpu.memory_space<vmem>>
        %get3A_233 = tpu.memref_squeeze %get3A_232 : memref<1x320x128xf32, #tpu.memory_space<vmem>> -> memref<320x128xf32, #tpu.memory_space<vmem>>
        %get3A_234 = arith.index_cast %add3A_229 : i32 to index
        %get3A_235 = arith.constant 16 : index
        %get3A_236 = tpu.vector_load %get3A_233[%get3A_234, %get3A_235] {strides = array<i32>} : memref<320x128xf32, #tpu.memory_space<vmem>>, vector<1x16xf32>,
        %get3A_237 = vector.shape_cast %get3A_236 : vector<1x16xf32> to vector<16xf32>
        %add3A_238 = arith.addf %add3A_227, %get3A_237 : vector<16xf32>
        %add3A_239 = arith.constant 4 : i32
        %add3A_240 = arith.addi %mul3A_142, %add3A_239 : i32
        %get3A_241 = arith.constant 0 : i32
        %get3A_242 = arith.constant 0 : i32
        %get3A_243 = tpu.memref_slice %arg6[%scan3A_129, %get3A_241, %get3A_242] : memref<2x320x128xf32, #tpu.memory_space<vmem>> -> memref<1x320x128xf32, #tpu.memory_space<vmem>>
        %get3A_244 = tpu.memref_squeeze %get3A_243 : memref<1x320x128xf32, #tpu.memory_space<vmem>> -> memref<320x128xf32, #tpu.memory_space<vmem>>
        %get3A_245 = arith.index_cast %add3A_240 : i32 to index
        %get3A_246 = arith.constant 16 : index
        %get3A_247 = tpu.vector_load %get3A_244[%get3A_245, %get3A_246] {strides = array<i32>} : memref<320x128xf32, #tpu.memory_space<vmem>>, vector<1x16xf32>,
        %get3A_248 = vector.shape_cast %get3A_247 : vector<1x16xf32> to vector<16xf32>
        %add3A_249 = arith.addf %add3A_238, %get3A_248 : vector<16xf32>
        %swap3A_250 = arith.index_cast %scan3A_140 : i32 to index
        %swap3A_251 = arith.constant 16 : index
        %swap3A_252 = tpu.vector_load %arg7[%swap3A_250, %swap3A_251] {strides = array<i32>} : memref<64x128xf32, #tpu.memory_space<vmem>>, vector<1x16xf32>,
        %swap3A_253 = vector.shape_cast %swap3A_252 : vector<1x16xf32> to vector<16xf32>
        %swap3A_254 = vector.shape_cast %add3A_249 : vector<16xf32> to vector<1x16xf32>
        tpu.vector_store %arg7[%swap3A_250, %swap3A_251], %swap3A_254 {strides = array<i32>} : memref<64x128xf32, #tpu.memory_space<vmem>>, vector<1x16xf32>,
        %get3A_255 = arith.constant 0 : i32
        %get3A_256 = arith.constant 0 : i32
        %get3A_257 = tpu.memref_slice %arg6[%scan3A_129, %get3A_255, %get3A_256] : memref<2x320x128xf32, #tpu.memory_space<vmem>> -> memref<1x320x128xf32, #tpu.memory_space<vmem>>
        %get3A_258 = tpu.memref_squeeze %get3A_257 : memref<1x320x128xf32, #tpu.memory_space<vmem>> -> memref<320x128xf32, #tpu.memory_space<vmem>>
        %get3A_259 = arith.index_cast %mul3A_142 : i32 to index
        %get3A_260 = arith.constant 32 : index
        %get3A_261 = tpu.vector_load %get3A_258[%get3A_259, %get3A_260] {strides = array<i32>} : memref<320x128xf32, #tpu.memory_space<vmem>>, vector<1x16xf32>,
        %get3A_262 = vector.shape_cast %get3A_261 : vector<1x16xf32> to vector<16xf32>
        %add3A_263 = arith.constant 1 : i32
        %add3A_264 = arith.addi %mul3A_142, %add3A_263 : i32
        %get3A_265 = arith.constant 0 : i32
        %get3A_266 = arith.constant 0 : i32
        %get3A_267 = tpu.memref_slice %arg6[%scan3A_129, %get3A_265, %get3A_266] : memref<2x320x128xf32, #tpu.memory_space<vmem>> -> memref<1x320x128xf32, #tpu.memory_space<vmem>>
        %get3A_268 = tpu.memref_squeeze %get3A_267 : memref<1x320x128xf32, #tpu.memory_space<vmem>> -> memref<320x128xf32, #tpu.memory_space<vmem>>
        %get3A_269 = arith.index_cast %add3A_264 : i32 to index
        %get3A_270 = arith.constant 32 : index
        %get3A_271 = tpu.vector_load %get3A_268[%get3A_269, %get3A_270] {strides = array<i32>} : memref<320x128xf32, #tpu.memory_space<vmem>>, vector<1x16xf32>,
        %get3A_272 = vector.shape_cast %get3A_271 : vector<1x16xf32> to vector<16xf32>
        %add3A_273 = arith.addf %get3A_262, %get3A_272 : vector<16xf32>
        %add3A_274 = arith.constant 2 : i32
        %add3A_275 = arith.addi %mul3A_142, %add3A_274 : i32
        %get3A_276 = arith.constant 0 : i32
        %get3A_277 = arith.constant 0 : i32
        %get3A_278 = tpu.memref_slice %arg6[%scan3A_129, %get3A_276, %get3A_277] : memref<2x320x128xf32, #tpu.memory_space<vmem>> -> memref<1x320x128xf32, #tpu.memory_space<vmem>>
        %get3A_279 = tpu.memref_squeeze %get3A_278 : memref<1x320x128xf32, #tpu.memory_space<vmem>> -> memref<320x128xf32, #tpu.memory_space<vmem>>
        %get3A_280 = arith.index_cast %add3A_275 : i32 to index
        %get3A_281 = arith.constant 32 : index
        %get3A_282 = tpu.vector_load %get3A_279[%get3A_280, %get3A_281] {strides = array<i32>} : memref<320x128xf32, #tpu.memory_space<vmem>>, vector<1x16xf32>,
        %get3A_283 = vector.shape_cast %get3A_282 : vector<1x16xf32> to vector<16xf32>
        %add3A_284 = arith.addf %add3A_273, %get3A_283 : vector<16xf32>
        %add3A_285 = arith.constant 3 : i32
        %add3A_286 = arith.addi %mul3A_142, %add3A_285 : i32
        %get3A_287 = arith.constant 0 : i32
        %get3A_288 = arith.constant 0 : i32
        %get3A_289 = tpu.memref_slice %arg6[%scan3A_129, %get3A_287, %get3A_288] : memref<2x320x128xf32, #tpu.memory_space<vmem>> -> memref<1x320x128xf32, #tpu.memory_space<vmem>>
        %get3A_290 = tpu.memref_squeeze %get3A_289 : memref<1x320x128xf32, #tpu.memory_space<vmem>> -> memref<320x128xf32, #tpu.memory_space<vmem>>
        %get3A_291 = arith.index_cast %add3A_286 : i32 to index
        %get3A_292 = arith.constant 32 : index
        %get3A_293 = tpu.vector_load %get3A_290[%get3A_291, %get3A_292] {strides = array<i32>} : memref<320x128xf32, #tpu.memory_space<vmem>>, vector<1x16xf32>,
        %get3A_294 = vector.shape_cast %get3A_293 : vector<1x16xf32> to vector<16xf32>
        %add3A_295 = arith.addf %add3A_284, %get3A_294 : vector<16xf32>
        %add3A_296 = arith.constant 4 : i32
        %add3A_297 = arith.addi %mul3A_142, %add3A_296 : i32
        %get3A_298 = arith.constant 0 : i32
        %get3A_299 = arith.constant 0 : i32
        %get3A_300 = tpu.memref_slice %arg6[%scan3A_129, %get3A_298, %get3A_299] : memref<2x320x128xf32, #tpu.memory_space<vmem>> -> memref<1x320x128xf32, #tpu.memory_space<vmem>>
        %get3A_301 = tpu.memref_squeeze %get3A_300 : memref<1x320x128xf32, #tpu.memory_space<vmem>> -> memref<320x128xf32, #tpu.memory_space<vmem>>
        %get3A_302 = arith.index_cast %add3A_297 : i32 to index
        %get3A_303 = arith.constant 32 : index
        %get3A_304 = tpu.vector_load %get3A_301[%get3A_302, %get3A_303] {strides = array<i32>} : memref<320x128xf32, #tpu.memory_space<vmem>>, vector<1x16xf32>,
        %get3A_305 = vector.shape_cast %get3A_304 : vector<1x16xf32> to vector<16xf32>
        %add3A_306 = arith.addf %add3A_295, %get3A_305 : vector<16xf32>
        %swap3A_307 = arith.index_cast %scan3A_140 : i32 to index
        %swap3A_308 = arith.constant 32 : index
        %swap3A_309 = tpu.vector_load %arg7[%swap3A_307, %swap3A_308] {strides = array<i32>} : memref<64x128xf32, #tpu.memory_space<vmem>>, vector<1x16xf32>,
        %swap3A_310 = vector.shape_cast %swap3A_309 : vector<1x16xf32> to vector<16xf32>
        %swap3A_311 = vector.shape_cast %add3A_306 : vector<16xf32> to vector<1x16xf32>
        tpu.vector_store %arg7[%swap3A_307, %swap3A_308], %swap3A_311 {strides = array<i32>} : memref<64x128xf32, #tpu.memory_space<vmem>>, vector<1x16xf32>,
        %get3A_312 = arith.constant 0 : i32
        %get3A_313 = arith.constant 0 : i32
        %get3A_314 = tpu.memref_slice %arg6[%scan3A_129, %get3A_312, %get3A_313] : memref<2x320x128xf32, #tpu.memory_space<vmem>> -> memref<1x320x128xf32, #tpu.memory_space<vmem>>
        %get3A_315 = tpu.memref_squeeze %get3A_314 : memref<1x320x128xf32, #tpu.memory_space<vmem>> -> memref<320x128xf32, #tpu.memory_space<vmem>>
        %get3A_316 = arith.index_cast %mul3A_142 : i32 to index
        %get3A_317 = arith.constant 48 : index
        %get3A_318 = tpu.vector_load %get3A_315[%get3A_316, %get3A_317] {strides = array<i32>} : memref<320x128xf32, #tpu.memory_space<vmem>>, vector<1x16xf32>,
        %get3A_319 = vector.shape_cast %get3A_318 : vector<1x16xf32> to vector<16xf32>
        %add3A_320 = arith.constant 1 : i32
        %add3A_321 = arith.addi %mul3A_142, %add3A_320 : i32
        %get3A_322 = arith.constant 0 : i32
        %get3A_323 = arith.constant 0 : i32
        %get3A_324 = tpu.memref_slice %arg6[%scan3A_129, %get3A_322, %get3A_323] : memref<2x320x128xf32, #tpu.memory_space<vmem>> -> memref<1x320x128xf32, #tpu.memory_space<vmem>>
        %get3A_325 = tpu.memref_squeeze %get3A_324 : memref<1x320x128xf32, #tpu.memory_space<vmem>> -> memref<320x128xf32, #tpu.memory_space<vmem>>
        %get3A_326 = arith.index_cast %add3A_321 : i32 to index
        %get3A_327 = arith.constant 48 : index
        %get3A_328 = tpu.vector_load %get3A_325[%get3A_326, %get3A_327] {strides = array<i32>} : memref<320x128xf32, #tpu.memory_space<vmem>>, vector<1x16xf32>,
        %get3A_329 = vector.shape_cast %get3A_328 : vector<1x16xf32> to vector<16xf32>
        %add3A_330 = arith.addf %get3A_319, %get3A_329 : vector<16xf32>
        %add3A_331 = arith.constant 2 : i32
        %add3A_332 = arith.addi %mul3A_142, %add3A_331 : i32
        %get3A_333 = arith.constant 0 : i32
        %get3A_334 = arith.constant 0 : i32
        %get3A_335 = tpu.memref_slice %arg6[%scan3A_129, %get3A_333, %get3A_334] : memref<2x320x128xf32, #tpu.memory_space<vmem>> -> memref<1x320x128xf32, #tpu.memory_space<vmem>>
        %get3A_336 = tpu.memref_squeeze %get3A_335 : memref<1x320x128xf32, #tpu.memory_space<vmem>> -> memref<320x128xf32, #tpu.memory_space<vmem>>
        %get3A_337 = arith.index_cast %add3A_332 : i32 to index
        %get3A_338 = arith.constant 48 : index
        %get3A_339 = tpu.vector_load %get3A_336[%get3A_337, %get3A_338] {strides = array<i32>} : memref<320x128xf32, #tpu.memory_space<vmem>>, vector<1x16xf32>,
        %get3A_340 = vector.shape_cast %get3A_339 : vector<1x16xf32> to vector<16xf32>
        %add3A_341 = arith.addf %add3A_330, %get3A_340 : vector<16xf32>
        %add3A_342 = arith.constant 3 : i32
        %add3A_343 = arith.addi %mul3A_142, %add3A_342 : i32
        %get3A_344 = arith.constant 0 : i32
        %get3A_345 = arith.constant 0 : i32
        %get3A_346 = tpu.memref_slice %arg6[%scan3A_129, %get3A_344, %get3A_345] : memref<2x320x128xf32, #tpu.memory_space<vmem>> -> memref<1x320x128xf32, #tpu.memory_space<vmem>>
        %get3A_347 = tpu.memref_squeeze %get3A_346 : memref<1x320x128xf32, #tpu.memory_space<vmem>> -> memref<320x128xf32, #tpu.memory_space<vmem>>
        %get3A_348 = arith.index_cast %add3A_343 : i32 to index
        %get3A_349 = arith.constant 48 : index
        %get3A_350 = tpu.vector_load %get3A_347[%get3A_348, %get3A_349] {strides = array<i32>} : memref<320x128xf32, #tpu.memory_space<vmem>>, vector<1x16xf32>,
        %get3A_351 = vector.shape_cast %get3A_350 : vector<1x16xf32> to vector<16xf32>
        %add3A_352 = arith.addf %add3A_341, %get3A_351 : vector<16xf32>
        %add3A_353 = arith.constant 4 : i32
        %add3A_354 = arith.addi %mul3A_142, %add3A_353 : i32
        %get3A_355 = arith.constant 0 : i32
        %get3A_356 = arith.constant 0 : i32
        %get3A_357 = tpu.memref_slice %arg6[%scan3A_129, %get3A_355, %get3A_356] : memref<2x320x128xf32, #tpu.memory_space<vmem>> -> memref<1x320x128xf32, #tpu.memory_space<vmem>>
        %get3A_358 = tpu.memref_squeeze %get3A_357 : memref<1x320x128xf32, #tpu.memory_space<vmem>> -> memref<320x128xf32, #tpu.memory_space<vmem>>
        %get3A_359 = arith.index_cast %add3A_354 : i32 to index
        %get3A_360 = arith.constant 48 : index
        %get3A_361 = tpu.vector_load %get3A_358[%get3A_359, %get3A_360] {strides = array<i32>} : memref<320x128xf32, #tpu.memory_space<vmem>>, vector<1x16xf32>,
        %get3A_362 = vector.shape_cast %get3A_361 : vector<1x16xf32> to vector<16xf32>
        %add3A_363 = arith.addf %add3A_352, %get3A_362 : vector<16xf32>
        %swap3A_364 = arith.index_cast %scan3A_140 : i32 to index
        %swap3A_365 = arith.constant 48 : index
        %swap3A_366 = tpu.vector_load %arg7[%swap3A_364, %swap3A_365] {strides = array<i32>} : memref<64x128xf32, #tpu.memory_space<vmem>>, vector<1x16xf32>,
        %swap3A_367 = vector.shape_cast %swap3A_366 : vector<1x16xf32> to vector<16xf32>
        %swap3A_368 = vector.shape_cast %add3A_363 : vector<16xf32> to vector<1x16xf32>
        tpu.vector_store %arg7[%swap3A_364, %swap3A_365], %swap3A_368 {strides = array<i32>} : memref<64x128xf32, #tpu.memory_space<vmem>>, vector<1x16xf32>,
        %get3A_369 = arith.constant 0 : i32
        %get3A_370 = arith.constant 0 : i32
        %get3A_371 = tpu.memref_slice %arg6[%scan3A_129, %get3A_369, %get3A_370] : memref<2x320x128xf32, #tpu.memory_space<vmem>> -> memref<1x320x128xf32, #tpu.memory_space<vmem>>
        %get3A_372 = tpu.memref_squeeze %get3A_371 : memref<1x320x128xf32, #tpu.memory_space<vmem>> -> memref<320x128xf32, #tpu.memory_space<vmem>>
        %get3A_373 = arith.index_cast %mul3A_142 : i32 to index
        %get3A_374 = arith.constant 64 : index
        %get3A_375 = tpu.vector_load %get3A_372[%get3A_373, %get3A_374] {strides = array<i32>} : memref<320x128xf32, #tpu.memory_space<vmem>>, vector<1x16xf32>,
        %get3A_376 = vector.shape_cast %get3A_375 : vector<1x16xf32> to vector<16xf32>
        %add3A_377 = arith.constant 1 : i32
        %add3A_378 = arith.addi %mul3A_142, %add3A_377 : i32
        %get3A_379 = arith.constant 0 : i32
        %get3A_380 = arith.constant 0 : i32
        %get3A_381 = tpu.memref_slice %arg6[%scan3A_129, %get3A_379, %get3A_380] : memref<2x320x128xf32, #tpu.memory_space<vmem>> -> memref<1x320x128xf32, #tpu.memory_space<vmem>>
        %get3A_382 = tpu.memref_squeeze %get3A_381 : memref<1x320x128xf32, #tpu.memory_space<vmem>> -> memref<320x128xf32, #tpu.memory_space<vmem>>
        %get3A_383 = arith.index_cast %add3A_378 : i32 to index
        %get3A_384 = arith.constant 64 : index
        %get3A_385 = tpu.vector_load %get3A_382[%get3A_383, %get3A_384] {strides = array<i32>} : memref<320x128xf32, #tpu.memory_space<vmem>>, vector<1x16xf32>,
        %get3A_386 = vector.shape_cast %get3A_385 : vector<1x16xf32> to vector<16xf32>
        %add3A_387 = arith.addf %get3A_376, %get3A_386 : vector<16xf32>
        %add3A_388 = arith.constant 2 : i32
        %add3A_389 = arith.addi %mul3A_142, %add3A_388 : i32
        %get3A_390 = arith.constant 0 : i32
        %get3A_391 = arith.constant 0 : i32
        %get3A_392 = tpu.memref_slice %arg6[%scan3A_129, %get3A_390, %get3A_391] : memref<2x320x128xf32, #tpu.memory_space<vmem>> -> memref<1x320x128xf32, #tpu.memory_space<vmem>>
        %get3A_393 = tpu.memref_squeeze %get3A_392 : memref<1x320x128xf32, #tpu.memory_space<vmem>> -> memref<320x128xf32, #tpu.memory_space<vmem>>
        %get3A_394 = arith.index_cast %add3A_389 : i32 to index
        %get3A_395 = arith.constant 64 : index
        %get3A_396 = tpu.vector_load %get3A_393[%get3A_394, %get3A_395] {strides = array<i32>} : memref<320x128xf32, #tpu.memory_space<vmem>>, vector<1x16xf32>,
        %get3A_397 = vector.shape_cast %get3A_396 : vector<1x16xf32> to vector<16xf32>
        %add3A_398 = arith.addf %add3A_387, %get3A_397 : vector<16xf32>
        %add3A_399 = arith.constant 3 : i32
        %add3A_400 = arith.addi %mul3A_142, %add3A_399 : i32
        %get3A_401 = arith.constant 0 : i32
        %get3A_402 = arith.constant 0 : i32
        %get3A_403 = tpu.memref_slice %arg6[%scan3A_129, %get3A_401, %get3A_402] : memref<2x320x128xf32, #tpu.memory_space<vmem>> -> memref<1x320x128xf32, #tpu.memory_space<vmem>>
        %get3A_404 = tpu.memref_squeeze %get3A_403 : memref<1x320x128xf32, #tpu.memory_space<vmem>> -> memref<320x128xf32, #tpu.memory_space<vmem>>
        %get3A_405 = arith.index_cast %add3A_400 : i32 to index
        %get3A_406 = arith.constant 64 : index
        %get3A_407 = tpu.vector_load %get3A_404[%get3A_405, %get3A_406] {strides = array<i32>} : memref<320x128xf32, #tpu.memory_space<vmem>>, vector<1x16xf32>,
        %get3A_408 = vector.shape_cast %get3A_407 : vector<1x16xf32> to vector<16xf32>
        %add3A_409 = arith.addf %add3A_398, %get3A_408 : vector<16xf32>
        %add3A_410 = arith.constant 4 : i32
        %add3A_411 = arith.addi %mul3A_142, %add3A_410 : i32
        %get3A_412 = arith.constant 0 : i32
        %get3A_413 = arith.constant 0 : i32
        %get3A_414 = tpu.memref_slice %arg6[%scan3A_129, %get3A_412, %get3A_413] : memref<2x320x128xf32, #tpu.memory_space<vmem>> -> memref<1x320x128xf32, #tpu.memory_space<vmem>>
        %get3A_415 = tpu.memref_squeeze %get3A_414 : memref<1x320x128xf32, #tpu.memory_space<vmem>> -> memref<320x128xf32, #tpu.memory_space<vmem>>
        %get3A_416 = arith.index_cast %add3A_411 : i32 to index
        %get3A_417 = arith.constant 64 : index
        %get3A_418 = tpu.vector_load %get3A_415[%get3A_416, %get3A_417] {strides = array<i32>} : memref<320x128xf32, #tpu.memory_space<vmem>>, vector<1x16xf32>,
        %get3A_419 = vector.shape_cast %get3A_418 : vector<1x16xf32> to vector<16xf32>
        %add3A_420 = arith.addf %add3A_409, %get3A_419 : vector<16xf32>
        %swap3A_421 = arith.index_cast %scan3A_140 : i32 to index
        %swap3A_422 = arith.constant 64 : index
        %swap3A_423 = tpu.vector_load %arg7[%swap3A_421, %swap3A_422] {strides = array<i32>} : memref<64x128xf32, #tpu.memory_space<vmem>>, vector<1x16xf32>,
        %swap3A_424 = vector.shape_cast %swap3A_423 : vector<1x16xf32> to vector<16xf32>
        %swap3A_425 = vector.shape_cast %add3A_420 : vector<16xf32> to vector<1x16xf32>
        tpu.vector_store %arg7[%swap3A_421, %swap3A_422], %swap3A_425 {strides = array<i32>} : memref<64x128xf32, #tpu.memory_space<vmem>>, vector<1x16xf32>,
        %get3A_426 = arith.constant 0 : i32
        %get3A_427 = arith.constant 0 : i32
        %get3A_428 = tpu.memref_slice %arg6[%scan3A_129, %get3A_426, %get3A_427] : memref<2x320x128xf32, #tpu.memory_space<vmem>> -> memref<1x320x128xf32, #tpu.memory_space<vmem>>
        %get3A_429 = tpu.memref_squeeze %get3A_428 : memref<1x320x128xf32, #tpu.memory_space<vmem>> -> memref<320x128xf32, #tpu.memory_space<vmem>>
        %get3A_430 = arith.index_cast %mul3A_142 : i32 to index
        %get3A_431 = arith.constant 80 : index
        %get3A_432 = tpu.vector_load %get3A_429[%get3A_430, %get3A_431] {strides = array<i32>} : memref<320x128xf32, #tpu.memory_space<vmem>>, vector<1x16xf32>,
        %get3A_433 = vector.shape_cast %get3A_432 : vector<1x16xf32> to vector<16xf32>
        %add3A_434 = arith.constant 1 : i32
        %add3A_435 = arith.addi %mul3A_142, %add3A_434 : i32
        %get3A_436 = arith.constant 0 : i32
        %get3A_437 = arith.constant 0 : i32
        %get3A_438 = tpu.memref_slice %arg6[%scan3A_129, %get3A_436, %get3A_437] : memref<2x320x128xf32, #tpu.memory_space<vmem>> -> memref<1x320x128xf32, #tpu.memory_space<vmem>>
        %get3A_439 = tpu.memref_squeeze %get3A_438 : memref<1x320x128xf32, #tpu.memory_space<vmem>> -> memref<320x128xf32, #tpu.memory_space<vmem>>
        %get3A_440 = arith.index_cast %add3A_435 : i32 to index
        %get3A_441 = arith.constant 80 : index
        %get3A_442 = tpu.vector_load %get3A_439[%get3A_440, %get3A_441] {strides = array<i32>} : memref<320x128xf32, #tpu.memory_space<vmem>>, vector<1x16xf32>,
        %get3A_443 = vector.shape_cast %get3A_442 : vector<1x16xf32> to vector<16xf32>
        %add3A_444 = arith.addf %get3A_433, %get3A_443 : vector<16xf32>
        %add3A_445 = arith.constant 2 : i32
        %add3A_446 = arith.addi %mul3A_142, %add3A_445 : i32
        %get3A_447 = arith.constant 0 : i32
        %get3A_448 = arith.constant 0 : i32
        %get3A_449 = tpu.memref_slice %arg6[%scan3A_129, %get3A_447, %get3A_448] : memref<2x320x128xf32, #tpu.memory_space<vmem>> -> memref<1x320x128xf32, #tpu.memory_space<vmem>>
        %get3A_450 = tpu.memref_squeeze %get3A_449 : memref<1x320x128xf32, #tpu.memory_space<vmem>> -> memref<320x128xf32, #tpu.memory_space<vmem>>
        %get3A_451 = arith.index_cast %add3A_446 : i32 to index
        %get3A_452 = arith.constant 80 : index
        %get3A_453 = tpu.vector_load %get3A_450[%get3A_451, %get3A_452] {strides = array<i32>} : memref<320x128xf32, #tpu.memory_space<vmem>>, vector<1x16xf32>,
        %get3A_454 = vector.shape_cast %get3A_453 : vector<1x16xf32> to vector<16xf32>
        %add3A_455 = arith.addf %add3A_444, %get3A_454 : vector<16xf32>
        %add3A_456 = arith.constant 3 : i32
        %add3A_457 = arith.addi %mul3A_142, %add3A_456 : i32
        %get3A_458 = arith.constant 0 : i32
        %get3A_459 = arith.constant 0 : i32
        %get3A_460 = tpu.memref_slice %arg6[%scan3A_129, %get3A_458, %get3A_459] : memref<2x320x128xf32, #tpu.memory_space<vmem>> -> memref<1x320x128xf32, #tpu.memory_space<vmem>>
        %get3A_461 = tpu.memref_squeeze %get3A_460 : memref<1x320x128xf32, #tpu.memory_space<vmem>> -> memref<320x128xf32, #tpu.memory_space<vmem>>
        %get3A_462 = arith.index_cast %add3A_457 : i32 to index
        %get3A_463 = arith.constant 80 : index
        %get3A_464 = tpu.vector_load %get3A_461[%get3A_462, %get3A_463] {strides = array<i32>} : memref<320x128xf32, #tpu.memory_space<vmem>>, vector<1x16xf32>,
        %get3A_465 = vector.shape_cast %get3A_464 : vector<1x16xf32> to vector<16xf32>
        %add3A_466 = arith.addf %add3A_455, %get3A_465 : vector<16xf32>
        %add3A_467 = arith.constant 4 : i32
        %add3A_468 = arith.addi %mul3A_142, %add3A_467 : i32
        %get3A_469 = arith.constant 0 : i32
        %get3A_470 = arith.constant 0 : i32
        %get3A_471 = tpu.memref_slice %arg6[%scan3A_129, %get3A_469, %get3A_470] : memref<2x320x128xf32, #tpu.memory_space<vmem>> -> memref<1x320x128xf32, #tpu.memory_space<vmem>>
        %get3A_472 = tpu.memref_squeeze %get3A_471 : memref<1x320x128xf32, #tpu.memory_space<vmem>> -> memref<320x128xf32, #tpu.memory_space<vmem>>
        %get3A_473 = arith.index_cast %add3A_468 : i32 to index
        %get3A_474 = arith.constant 80 : index
        %get3A_475 = tpu.vector_load %get3A_472[%get3A_473, %get3A_474] {strides = array<i32>} : memref<320x128xf32, #tpu.memory_space<vmem>>, vector<1x16xf32>,
        %get3A_476 = vector.shape_cast %get3A_475 : vector<1x16xf32> to vector<16xf32>
        %add3A_477 = arith.addf %add3A_466, %get3A_476 : vector<16xf32>
        %swap3A_478 = arith.index_cast %scan3A_140 : i32 to index
        %swap3A_479 = arith.constant 80 : index
        %swap3A_480 = tpu.vector_load %arg7[%swap3A_478, %swap3A_479] {strides = array<i32>} : memref<64x128xf32, #tpu.memory_space<vmem>>, vector<1x16xf32>,
        %swap3A_481 = vector.shape_cast %swap3A_480 : vector<1x16xf32> to vector<16xf32>
        %swap3A_482 = vector.shape_cast %add3A_477 : vector<16xf32> to vector<1x16xf32>
        tpu.vector_store %arg7[%swap3A_478, %swap3A_479], %swap3A_482 {strides = array<i32>} : memref<64x128xf32, #tpu.memory_space<vmem>>, vector<1x16xf32>,
        %get3A_483 = arith.constant 0 : i32
        %get3A_484 = arith.constant 0 : i32
        %get3A_485 = tpu.memref_slice %arg6[%scan3A_129, %get3A_483, %get3A_484] : memref<2x320x128xf32, #tpu.memory_space<vmem>> -> memref<1x320x128xf32, #tpu.memory_space<vmem>>
        %get3A_486 = tpu.memref_squeeze %get3A_485 : memref<1x320x128xf32, #tpu.memory_space<vmem>> -> memref<320x128xf32, #tpu.memory_space<vmem>>
        %get3A_487 = arith.index_cast %mul3A_142 : i32 to index
        %get3A_488 = arith.constant 96 : index
        %get3A_489 = tpu.vector_load %get3A_486[%get3A_487, %get3A_488] {strides = array<i32>} : memref<320x128xf32, #tpu.memory_space<vmem>>, vector<1x16xf32>,
        %get3A_490 = vector.shape_cast %get3A_489 : vector<1x16xf32> to vector<16xf32>
        %add3A_491 = arith.constant 1 : i32
        %add3A_492 = arith.addi %mul3A_142, %add3A_491 : i32
        %get3A_493 = arith.constant 0 : i32
        %get3A_494 = arith.constant 0 : i32
        %get3A_495 = tpu.memref_slice %arg6[%scan3A_129, %get3A_493, %get3A_494] : memref<2x320x128xf32, #tpu.memory_space<vmem>> -> memref<1x320x128xf32, #tpu.memory_space<vmem>>
        %get3A_496 = tpu.memref_squeeze %get3A_495 : memref<1x320x128xf32, #tpu.memory_space<vmem>> -> memref<320x128xf32, #tpu.memory_space<vmem>>
        %get3A_497 = arith.index_cast %add3A_492 : i32 to index
        %get3A_498 = arith.constant 96 : index
        %get3A_499 = tpu.vector_load %get3A_496[%get3A_497, %get3A_498] {strides = array<i32>} : memref<320x128xf32, #tpu.memory_space<vmem>>, vector<1x16xf32>,
        %get3A_500 = vector.shape_cast %get3A_499 : vector<1x16xf32> to vector<16xf32>
        %add3A_501 = arith.addf %get3A_490, %get3A_500 : vector<16xf32>
        %add3A_502 = arith.constant 2 : i32
        %add3A_503 = arith.addi %mul3A_142, %add3A_502 : i32
        %get3A_504 = arith.constant 0 : i32
        %get3A_505 = arith.constant 0 : i32
        %get3A_506 = tpu.memref_slice %arg6[%scan3A_129, %get3A_504, %get3A_505] : memref<2x320x128xf32, #tpu.memory_space<vmem>> -> memref<1x320x128xf32, #tpu.memory_space<vmem>>
        %get3A_507 = tpu.memref_squeeze %get3A_506 : memref<1x320x128xf32, #tpu.memory_space<vmem>> -> memref<320x128xf32, #tpu.memory_space<vmem>>
        %get3A_508 = arith.index_cast %add3A_503 : i32 to index
        %get3A_509 = arith.constant 96 : index
        %get3A_510 = tpu.vector_load %get3A_507[%get3A_508, %get3A_509] {strides = array<i32>} : memref<320x128xf32, #tpu.memory_space<vmem>>, vector<1x16xf32>,
        %get3A_511 = vector.shape_cast %get3A_510 : vector<1x16xf32> to vector<16xf32>
        %add3A_512 = arith.addf %add3A_501, %get3A_511 : vector<16xf32>
        %add3A_513 = arith.constant 3 : i32
        %add3A_514 = arith.addi %mul3A_142, %add3A_513 : i32
        %get3A_515 = arith.constant 0 : i32
        %get3A_516 = arith.constant 0 : i32
        %get3A_517 = tpu.memref_slice %arg6[%scan3A_129, %get3A_515, %get3A_516] : memref<2x320x128xf32, #tpu.memory_space<vmem>> -> memref<1x320x128xf32, #tpu.memory_space<vmem>>
        %get3A_518 = tpu.memref_squeeze %get3A_517 : memref<1x320x128xf32, #tpu.memory_space<vmem>> -> memref<320x128xf32, #tpu.memory_space<vmem>>
        %get3A_519 = arith.index_cast %add3A_514 : i32 to index
        %get3A_520 = arith.constant 96 : index
        %get3A_521 = tpu.vector_load %get3A_518[%get3A_519, %get3A_520] {strides = array<i32>} : memref<320x128xf32, #tpu.memory_space<vmem>>, vector<1x16xf32>,
        %get3A_522 = vector.shape_cast %get3A_521 : vector<1x16xf32> to vector<16xf32>
        %add3A_523 = arith.addf %add3A_512, %get3A_522 : vector<16xf32>
        %add3A_524 = arith.constant 4 : i32
        %add3A_525 = arith.addi %mul3A_142, %add3A_524 : i32
        %get3A_526 = arith.constant 0 : i32
        %get3A_527 = arith.constant 0 : i32
        %get3A_528 = tpu.memref_slice %arg6[%scan3A_129, %get3A_526, %get3A_527] : memref<2x320x128xf32, #tpu.memory_space<vmem>> -> memref<1x320x128xf32, #tpu.memory_space<vmem>>
        %get3A_529 = tpu.memref_squeeze %get3A_528 : memref<1x320x128xf32, #tpu.memory_space<vmem>> -> memref<320x128xf32, #tpu.memory_space<vmem>>
        %get3A_530 = arith.index_cast %add3A_525 : i32 to index
        %get3A_531 = arith.constant 96 : index
        %get3A_532 = tpu.vector_load %get3A_529[%get3A_530, %get3A_531] {strides = array<i32>} : memref<320x128xf32, #tpu.memory_space<vmem>>, vector<1x16xf32>,
        %get3A_533 = vector.shape_cast %get3A_532 : vector<1x16xf32> to vector<16xf32>
        %add3A_534 = arith.addf %add3A_523, %get3A_533 : vector<16xf32>
        %swap3A_535 = arith.index_cast %scan3A_140 : i32 to index
        %swap3A_536 = arith.constant 96 : index
        %swap3A_537 = tpu.vector_load %arg7[%swap3A_535, %swap3A_536] {strides = array<i32>} : memref<64x128xf32, #tpu.memory_space<vmem>>, vector<1x16xf32>,
        %swap3A_538 = vector.shape_cast %swap3A_537 : vector<1x16xf32> to vector<16xf32>
        %swap3A_539 = vector.shape_cast %add3A_534 : vector<16xf32> to vector<1x16xf32>
        tpu.vector_store %arg7[%swap3A_535, %swap3A_536], %swap3A_539 {strides = array<i32>} : memref<64x128xf32, #tpu.memory_space<vmem>>, vector<1x16xf32>,
        %get3A_540 = arith.constant 0 : i32
        %get3A_541 = arith.constant 0 : i32
        %get3A_542 = tpu.memref_slice %arg6[%scan3A_129, %get3A_540, %get3A_541] : memref<2x320x128xf32, #tpu.memory_space<vmem>> -> memref<1x320x128xf32, #tpu.memory_space<vmem>>
        %get3A_543 = tpu.memref_squeeze %get3A_542 : memref<1x320x128xf32, #tpu.memory_space<vmem>> -> memref<320x128xf32, #tpu.memory_space<vmem>>
        %get3A_544 = arith.index_cast %mul3A_142 : i32 to index
        %get3A_545 = arith.constant 112 : index
        %get3A_546 = tpu.vector_load %get3A_543[%get3A_544, %get3A_545] {strides = array<i32>} : memref<320x128xf32, #tpu.memory_space<vmem>>, vector<1x16xf32>,
        %get3A_547 = vector.shape_cast %get3A_546 : vector<1x16xf32> to vector<16xf32>
        %add3A_548 = arith.constant 1 : i32
        %add3A_549 = arith.addi %mul3A_142, %add3A_548 : i32
        %get3A_550 = arith.constant 0 : i32
        %get3A_551 = arith.constant 0 : i32
        %get3A_552 = tpu.memref_slice %arg6[%scan3A_129, %get3A_550, %get3A_551] : memref<2x320x128xf32, #tpu.memory_space<vmem>> -> memref<1x320x128xf32, #tpu.memory_space<vmem>>
        %get3A_553 = tpu.memref_squeeze %get3A_552 : memref<1x320x128xf32, #tpu.memory_space<vmem>> -> memref<320x128xf32, #tpu.memory_space<vmem>>
        %get3A_554 = arith.index_cast %add3A_549 : i32 to index
        %get3A_555 = arith.constant 112 : index
        %get3A_556 = tpu.vector_load %get3A_553[%get3A_554, %get3A_555] {strides = array<i32>} : memref<320x128xf32, #tpu.memory_space<vmem>>, vector<1x16xf32>,
        %get3A_557 = vector.shape_cast %get3A_556 : vector<1x16xf32> to vector<16xf32>
        %add3A_558 = arith.addf %get3A_547, %get3A_557 : vector<16xf32>
        %add3A_559 = arith.constant 2 : i32
        %add3A_560 = arith.addi %mul3A_142, %add3A_559 : i32
        %get3A_561 = arith.constant 0 : i32
        %get3A_562 = arith.constant 0 : i32
        %get3A_563 = tpu.memref_slice %arg6[%scan3A_129, %get3A_561, %get3A_562] : memref<2x320x128xf32, #tpu.memory_space<vmem>> -> memref<1x320x128xf32, #tpu.memory_space<vmem>>
        %get3A_564 = tpu.memref_squeeze %get3A_563 : memref<1x320x128xf32, #tpu.memory_space<vmem>> -> memref<320x128xf32, #tpu.memory_space<vmem>>
        %get3A_565 = arith.index_cast %add3A_560 : i32 to index
        %get3A_566 = arith.constant 112 : index
        %get3A_567 = tpu.vector_load %get3A_564[%get3A_565, %get3A_566] {strides = array<i32>} : memref<320x128xf32, #tpu.memory_space<vmem>>, vector<1x16xf32>,
        %get3A_568 = vector.shape_cast %get3A_567 : vector<1x16xf32> to vector<16xf32>
        %add3A_569 = arith.addf %add3A_558, %get3A_568 : vector<16xf32>
        %add3A_570 = arith.constant 3 : i32
        %add3A_571 = arith.addi %mul3A_142, %add3A_570 : i32
        %get3A_572 = arith.constant 0 : i32
        %get3A_573 = arith.constant 0 : i32
        %get3A_574 = tpu.memref_slice %arg6[%scan3A_129, %get3A_572, %get3A_573] : memref<2x320x128xf32, #tpu.memory_space<vmem>> -> memref<1x320x128xf32, #tpu.memory_space<vmem>>
        %get3A_575 = tpu.memref_squeeze %get3A_574 : memref<1x320x128xf32, #tpu.memory_space<vmem>> -> memref<320x128xf32, #tpu.memory_space<vmem>>
        %get3A_576 = arith.index_cast %add3A_571 : i32 to index
        %get3A_577 = arith.constant 112 : index
        %get3A_578 = tpu.vector_load %get3A_575[%get3A_576, %get3A_577] {strides = array<i32>} : memref<320x128xf32, #tpu.memory_space<vmem>>, vector<1x16xf32>,
        %get3A_579 = vector.shape_cast %get3A_578 : vector<1x16xf32> to vector<16xf32>
        %add3A_580 = arith.addf %add3A_569, %get3A_579 : vector<16xf32>
        %add3A_581 = arith.constant 4 : i32
        %add3A_582 = arith.addi %mul3A_142, %add3A_581 : i32
        %get3A_583 = arith.constant 0 : i32
        %get3A_584 = arith.constant 0 : i32
        %get3A_585 = tpu.memref_slice %arg6[%scan3A_129, %get3A_583, %get3A_584] : memref<2x320x128xf32, #tpu.memory_space<vmem>> -> memref<1x320x128xf32, #tpu.memory_space<vmem>>
        %get3A_586 = tpu.memref_squeeze %get3A_585 : memref<1x320x128xf32, #tpu.memory_space<vmem>> -> memref<320x128xf32, #tpu.memory_space<vmem>>
        %get3A_587 = arith.index_cast %add3A_582 : i32 to index
        %get3A_588 = arith.constant 112 : index
        %get3A_589 = tpu.vector_load %get3A_586[%get3A_587, %get3A_588] {strides = array<i32>} : memref<320x128xf32, #tpu.memory_space<vmem>>, vector<1x16xf32>,
        %get3A_590 = vector.shape_cast %get3A_589 : vector<1x16xf32> to vector<16xf32>
        %add3A_591 = arith.addf %add3A_580, %get3A_590 : vector<16xf32>
        %swap3A_592 = arith.index_cast %scan3A_140 : i32 to index
        %swap3A_593 = arith.constant 112 : index
        %swap3A_594 = tpu.vector_load %arg7[%swap3A_592, %swap3A_593] {strides = array<i32>} : memref<64x128xf32, #tpu.memory_space<vmem>>, vector<1x16xf32>,
        %swap3A_595 = vector.shape_cast %swap3A_594 : vector<1x16xf32> to vector<16xf32>
        %swap3A_596 = vector.shape_cast %add3A_591 : vector<16xf32> to vector<1x16xf32>
        tpu.vector_store %arg7[%swap3A_592, %swap3A_593], %swap3A_596 {strides = array<i32>} : memref<64x128xf32, #tpu.memory_space<vmem>>, vector<1x16xf32>,
      }
      %scan3A_134 = arith.constant 64 : i32
      %mul3A_135 = arith.constant 16 : i32
      %mul3A_136 = arith.muli %mul3A_2, %mul3A_135 : i32
      %mul3A_137 = arith.constant 64 : i32
      %mul3A_138 = arith.muli %add3A_105, %mul3A_137 : i32
      %add3A_139 = arith.addi %mul3A_136, %mul3A_138 : i32
      "tpu.region"() ({
        %run_scoped3A = tpu.sem_alloc : memref<!tpu.dma_semaphore, #tpu.memory_space<semaphore_mem>>
        %dma_start3A_140 = arith.constant 0 : i32
        %dma_start3A_141 = tpu.memref_slice %arg4[%add3A_139, %dma_start3A_140] : memref<53248x128xf32, #tpu.memory_space<hbm>> -> memref<64x128xf32, #tpu.memory_space<hbm>>
        %dma_start3A_142 = arith.constant 0 : i32
        %dma_start3A_143 = tpu.memref_slice %arg4[%add3A_139, %dma_start3A_142] : memref<53248x128xf32, #tpu.memory_space<hbm>> -> memref<64x128xf32, #tpu.memory_space<hbm>>
        tpu.enqueue_dma source(%arg7 : memref<64x128xf32, #tpu.memory_space<vmem>>) target(%dma_start3A_143 : memref<64x128xf32, #tpu.memory_space<hbm>>) target_semaphore(%run_scoped3A : memref<!tpu.dma_semaphore, #tpu.memory_space<semaphore_mem>>)
        %dma_wait3A_144 = arith.constant 0 : i32
        %dma_wait3A_145 = tpu.memref_slice %arg4[%add3A_139, %dma_wait3A_144] : memref<53248x128xf32, #tpu.memory_space<hbm>> -> memref<64x128xf32, #tpu.memory_space<hbm>>
        %dma_wait3A_146 = arith.constant 0 : i32
        %dma_wait3A_147 = tpu.memref_slice %arg4[%add3A_139, %dma_wait3A_146] : memref<53248x128xf32, #tpu.memory_space<hbm>> -> memref<64x128xf32, #tpu.memory_space<hbm>>
        tpu.wait_dma2 semaphore(%run_scoped3A : memref<!tpu.dma_semaphore, #tpu.memory_space<semaphore_mem>>) src(%arg7 : memref<64x128xf32, #tpu.memory_space<vmem>>) dst(%dma_wait3A_147 : memref<64x128xf32, #tpu.memory_space<hbm>>)
        tpu.yield
      }) : () -> ()
    }
    %scan3A_66 = arith.constant 13 : i32
    return
  }
}

module attributes {stable_mosaic.version = 14 : i64} {
  func.func @_topk_body(%arg0: i32, %arg1: i32, %arg2: memref<256x8xf32, #tpu.memory_space<vmem>>, %arg3: memref<1x8x2816xf32, #tpu.memory_space<vmem>>, %arg4: memref<256x8xi32, #tpu.memory_space<vmem>>) attributes {dimension_semantics = [#tpu.dimension_semantics<arbitrary>, #tpu.dimension_semantics<arbitrary>], iteration_bounds = array<i64: 19, 11>, scalar_prefetch = 0 : i64, scratch_operands = 0 : i64, tpu.core_type = #tpu.core_type<tc>, window_params = [{transform_indices = @transform_0, window_bounds = array<i64: 256, 8>}, {transform_indices = @transform_1, window_bounds = array<i64: 1, 8, 2816>}, {transform_indices = @transform_2, window_bounds = array<i64: 256, 8>}]} {
    %get3A = arith.constant 0 : index
    %get3A_0 = arith.constant 0 : index
    %get3A_1 = vector.load %arg2[%get3A, %get3A_0] : memref<256x8xf32, #tpu.memory_space<vmem>>, vector<256x8xf32>
    %convert_element_type3A = arith.truncf %get3A_1 : vector<256x8xf32> to vector<256x8xbf16>
    %convert_element_type3A_2 = arith.extf %convert_element_type3A : vector<256x8xbf16> to vector<256x8xf32>
    %get3A_3 = arith.constant 0 : index
    %get3A_4 = arith.constant 0 : index
    %get3A_5 = arith.constant 0 : index
    %get3A_6 = vector.load %arg3[%get3A_3, %get3A_4, %get3A_5] : memref<1x8x2816xf32, #tpu.memory_space<vmem>>, vector<1x8x2816xf32>
    %get3A_7 = vector.shape_cast %get3A_6 : vector<1x8x2816xf32> to vector<8x2816xf32>
    %convert_element_type3A_8 = arith.truncf %get3A_7 : vector<8x2816xf32> to vector<8x2816xbf16>
    %convert_element_type3A_9 = arith.extf %convert_element_type3A_8 : vector<8x2816xbf16> to vector<8x2816xf32>
    %slice3A = vector.extract_strided_slice %convert_element_type3A_2 {offsets = [0, 0], sizes = [256, 1], strides = [1, 1]} : vector<256x8xf32> to vector<256x1xf32>
    %slice3A_10 = vector.extract_strided_slice %convert_element_type3A_9 {offsets = [0, 0], sizes = [1, 2816], strides = [1, 1]} : vector<8x2816xf32> to vector<1x2816xf32>
    %mul3A = vector.broadcast %slice3A : vector<256x1xf32> to vector<256x2816xf32>
    %mul3A_11 = vector.broadcast %slice3A_10 : vector<1x2816xf32> to vector<256x2816xf32>
    %mul3A_12 = arith.mulf %mul3A, %mul3A_11 : vector<256x2816xf32>
    %slice3A_13 = vector.extract_strided_slice %convert_element_type3A_2 {offsets = [0, 1], sizes = [256, 1], strides = [1, 1]} : vector<256x8xf32> to vector<256x1xf32>
    %slice3A_14 = vector.extract_strided_slice %convert_element_type3A_9 {offsets = [1, 0], sizes = [1, 2816], strides = [1, 1]} : vector<8x2816xf32> to vector<1x2816xf32>
    %mul3A_15 = vector.broadcast %slice3A_13 : vector<256x1xf32> to vector<256x2816xf32>
    %mul3A_16 = vector.broadcast %slice3A_14 : vector<1x2816xf32> to vector<256x2816xf32>
    %mul3A_17 = arith.mulf %mul3A_15, %mul3A_16 : vector<256x2816xf32>
    %slice3A_18 = vector.extract_strided_slice %convert_element_type3A_2 {offsets = [0, 2], sizes = [256, 1], strides = [1, 1]} : vector<256x8xf32> to vector<256x1xf32>
    %slice3A_19 = vector.extract_strided_slice %convert_element_type3A_9 {offsets = [2, 0], sizes = [1, 2816], strides = [1, 1]} : vector<8x2816xf32> to vector<1x2816xf32>
    %mul3A_20 = vector.broadcast %slice3A_18 : vector<256x1xf32> to vector<256x2816xf32>
    %mul3A_21 = vector.broadcast %slice3A_19 : vector<1x2816xf32> to vector<256x2816xf32>
    %mul3A_22 = arith.mulf %mul3A_20, %mul3A_21 : vector<256x2816xf32>
    %add3A = arith.addf %mul3A_12, %mul3A_22 : vector<256x2816xf32>
    %sub3A = arith.subf %add3A, %mul3A_12 : vector<256x2816xf32>
    %sub3A_23 = arith.subf %add3A, %sub3A : vector<256x2816xf32>
    %sub3A_24 = arith.subf %mul3A_12, %sub3A_23 : vector<256x2816xf32>
    %sub3A_25 = arith.subf %mul3A_22, %sub3A : vector<256x2816xf32>
    %add3A_26 = arith.addf %sub3A_24, %sub3A_25 : vector<256x2816xf32>
    %add3A_27 = arith.addf %add3A, %mul3A_17 : vector<256x2816xf32>
    %sub3A_28 = arith.subf %add3A_27, %add3A : vector<256x2816xf32>
    %sub3A_29 = arith.subf %add3A_27, %sub3A_28 : vector<256x2816xf32>
    %sub3A_30 = arith.subf %add3A, %sub3A_29 : vector<256x2816xf32>
    %sub3A_31 = arith.subf %mul3A_17, %sub3A_28 : vector<256x2816xf32>
    %add3A_32 = arith.addf %sub3A_30, %sub3A_31 : vector<256x2816xf32>
    %add3A_33 = arith.addf %add3A_26, %add3A_32 : vector<256x2816xf32>
    %add3A_34 = arith.addf %add3A_27, %add3A_33 : vector<256x2816xf32>
    %iota3A = tpu.iota {dimensions = array<i32: 1>} : vector<256x2816xi32>
    %eq3A = arith.constant 18 : i32
    %eq3A_35 = arith.cmpi eq, %arg0, %eq3A : i32
    %jit3A = arith.constant 1148 : i32
    %jit3A_36 = arith.constant 2714 : i32
    %select_n3A = arith.select %eq3A_35, %jit3A, %jit3A_36 : i32
    %lt3A = vector.broadcast %select_n3A : i32 to vector<256x2816xi32>
    %lt3A_37 = arith.cmpi slt, %iota3A, %lt3A : vector<256x2816xi32>
    %jit3A_38 = arith.constant 0xFF800000 : f32
    %broadcast_in_dim3A = vector.broadcast %jit3A_38 : f32 to vector<256x2816xf32>
    %select_n3A_39 = arith.select %lt3A_37, %add3A_34, %broadcast_in_dim3A : vector<256x2816xi1>, vector<256x2816xf32>
    %mul3A_40 = arith.constant 2714 : i32
    %mul3A_41 = arith.muli %arg0, %mul3A_40 : i32
    %reduce_max3A = arith.constant dense<0xFF800000> : vector<256xf32>
    %reduce_max3A_42 = vector.multi_reduction <maximumf>, %select_n3A_39, %reduce_max3A [1] : vector<256x2816xf32> to vector<256xf32>
    %broadcast_in_dim3A_43 = vector.shape_cast %reduce_max3A_42 : vector<256xf32> to vector<256x1xf32>
    %ge3A = vector.broadcast %broadcast_in_dim3A_43 : vector<256x1xf32> to vector<256x2816xf32>
    %ge3A_44 = arith.cmpf oge, %select_n3A_39, %ge3A : vector<256x2816xf32>
    %jit3A_45 = arith.constant 1073741824 : i32
    %broadcast_in_dim3A_46 = vector.broadcast %jit3A_45 : i32 to vector<256x2816xi32>
    %select_n3A_47 = arith.select %ge3A_44, %iota3A, %broadcast_in_dim3A_46 : vector<256x2816xi1>, vector<256x2816xi32>
    %reduce_min3A = arith.constant dense<2147483647> : vector<256xi32>
    %reduce_min3A_48 = vector.multi_reduction <minsi>, %select_n3A_47, %reduce_min3A [1] : vector<256x2816xi32> to vector<256xi32>
    %broadcast_in_dim3A_49 = vector.shape_cast %reduce_min3A_48 : vector<256xi32> to vector<256x1xi32>
    %add3A_50 = vector.broadcast %mul3A_41 : i32 to vector<256x1xi32>
    %add3A_51 = arith.addi %broadcast_in_dim3A_49, %add3A_50 : vector<256x1xi32>
    %swap3A = arith.constant 0 : index
    %swap3A_52 = arith.constant 0 : index
    %swap3A_53 = vector.load %arg4[%swap3A, %swap3A_52] : memref<256x8xi32, #tpu.memory_space<vmem>>, vector<256x1xi32>
    tpu.vector_store %arg4[%swap3A, %swap3A_52], %add3A_51 {strides = array<i32>} : memref<256x8xi32, #tpu.memory_space<vmem>>, vector<256x1xi32>,
    %eq3A_54 = vector.broadcast %broadcast_in_dim3A_49 : vector<256x1xi32> to vector<256x2816xi32>
    %eq3A_55 = arith.cmpi eq, %iota3A, %eq3A_54 : vector<256x2816xi32>
    %jit3A_56 = arith.constant 0xFF800000 : f32
    %broadcast_in_dim3A_57 = vector.broadcast %jit3A_56 : f32 to vector<256x2816xf32>
    %select_n3A_58 = arith.select %eq3A_55, %broadcast_in_dim3A_57, %select_n3A_39 : vector<256x2816xi1>, vector<256x2816xf32>
    %reduce_max3A_59 = arith.constant dense<0xFF800000> : vector<256xf32>
    %reduce_max3A_60 = vector.multi_reduction <maximumf>, %select_n3A_58, %reduce_max3A_59 [1] : vector<256x2816xf32> to vector<256xf32>
    %broadcast_in_dim3A_61 = vector.shape_cast %reduce_max3A_60 : vector<256xf32> to vector<256x1xf32>
    %ge3A_62 = vector.broadcast %broadcast_in_dim3A_61 : vector<256x1xf32> to vector<256x2816xf32>
    %ge3A_63 = arith.cmpf oge, %select_n3A_58, %ge3A_62 : vector<256x2816xf32>
    %jit3A_64 = arith.constant 1073741824 : i32
    %broadcast_in_dim3A_65 = vector.broadcast %jit3A_64 : i32 to vector<256x2816xi32>
    %select_n3A_66 = arith.select %ge3A_63, %iota3A, %broadcast_in_dim3A_65 : vector<256x2816xi1>, vector<256x2816xi32>
    %reduce_min3A_67 = arith.constant dense<2147483647> : vector<256xi32>
    %reduce_min3A_68 = vector.multi_reduction <minsi>, %select_n3A_66, %reduce_min3A_67 [1] : vector<256x2816xi32> to vector<256xi32>
    %broadcast_in_dim3A_69 = vector.shape_cast %reduce_min3A_68 : vector<256xi32> to vector<256x1xi32>
    %add3A_70 = vector.broadcast %mul3A_41 : i32 to vector<256x1xi32>
    %add3A_71 = arith.addi %broadcast_in_dim3A_69, %add3A_70 : vector<256x1xi32>
    %swap3A_72 = arith.constant 0 : index
    %swap3A_73 = arith.constant 1 : index
    %swap3A_74 = vector.load %arg4[%swap3A_72, %swap3A_73] : memref<256x8xi32, #tpu.memory_space<vmem>>, vector<256x1xi32>
    tpu.vector_store %arg4[%swap3A_72, %swap3A_73], %add3A_71 {strides = array<i32>} : memref<256x8xi32, #tpu.memory_space<vmem>>, vector<256x1xi32>,
    %eq3A_75 = vector.broadcast %broadcast_in_dim3A_69 : vector<256x1xi32> to vector<256x2816xi32>
    %eq3A_76 = arith.cmpi eq, %iota3A, %eq3A_75 : vector<256x2816xi32>
    %jit3A_77 = arith.constant 0xFF800000 : f32
    %broadcast_in_dim3A_78 = vector.broadcast %jit3A_77 : f32 to vector<256x2816xf32>
    %select_n3A_79 = arith.select %eq3A_76, %broadcast_in_dim3A_78, %select_n3A_58 : vector<256x2816xi1>, vector<256x2816xf32>
    %reduce_max3A_80 = arith.constant dense<0xFF800000> : vector<256xf32>
    %reduce_max3A_81 = vector.multi_reduction <maximumf>, %select_n3A_79, %reduce_max3A_80 [1] : vector<256x2816xf32> to vector<256xf32>
    %broadcast_in_dim3A_82 = vector.shape_cast %reduce_max3A_81 : vector<256xf32> to vector<256x1xf32>
    %ge3A_83 = vector.broadcast %broadcast_in_dim3A_82 : vector<256x1xf32> to vector<256x2816xf32>
    %ge3A_84 = arith.cmpf oge, %select_n3A_79, %ge3A_83 : vector<256x2816xf32>
    %jit3A_85 = arith.constant 1073741824 : i32
    %broadcast_in_dim3A_86 = vector.broadcast %jit3A_85 : i32 to vector<256x2816xi32>
    %select_n3A_87 = arith.select %ge3A_84, %iota3A, %broadcast_in_dim3A_86 : vector<256x2816xi1>, vector<256x2816xi32>
    %reduce_min3A_88 = arith.constant dense<2147483647> : vector<256xi32>
    %reduce_min3A_89 = vector.multi_reduction <minsi>, %select_n3A_87, %reduce_min3A_88 [1] : vector<256x2816xi32> to vector<256xi32>
    %broadcast_in_dim3A_90 = vector.shape_cast %reduce_min3A_89 : vector<256xi32> to vector<256x1xi32>
    %add3A_91 = vector.broadcast %mul3A_41 : i32 to vector<256x1xi32>
    %add3A_92 = arith.addi %broadcast_in_dim3A_90, %add3A_91 : vector<256x1xi32>
    %swap3A_93 = arith.constant 0 : index
    %swap3A_94 = arith.constant 2 : index
    %swap3A_95 = vector.load %arg4[%swap3A_93, %swap3A_94] : memref<256x8xi32, #tpu.memory_space<vmem>>, vector<256x1xi32>
    tpu.vector_store %arg4[%swap3A_93, %swap3A_94], %add3A_92 {strides = array<i32>} : memref<256x8xi32, #tpu.memory_space<vmem>>, vector<256x1xi32>,
    %eq3A_96 = vector.broadcast %broadcast_in_dim3A_90 : vector<256x1xi32> to vector<256x2816xi32>
    %eq3A_97 = arith.cmpi eq, %iota3A, %eq3A_96 : vector<256x2816xi32>
    %jit3A_98 = arith.constant 0xFF800000 : f32
    %broadcast_in_dim3A_99 = vector.broadcast %jit3A_98 : f32 to vector<256x2816xf32>
    %select_n3A_100 = arith.select %eq3A_97, %broadcast_in_dim3A_99, %select_n3A_79 : vector<256x2816xi1>, vector<256x2816xf32>
    %reduce_max3A_101 = arith.constant dense<0xFF800000> : vector<256xf32>
    %reduce_max3A_102 = vector.multi_reduction <maximumf>, %select_n3A_100, %reduce_max3A_101 [1] : vector<256x2816xf32> to vector<256xf32>
    %broadcast_in_dim3A_103 = vector.shape_cast %reduce_max3A_102 : vector<256xf32> to vector<256x1xf32>
    %ge3A_104 = vector.broadcast %broadcast_in_dim3A_103 : vector<256x1xf32> to vector<256x2816xf32>
    %ge3A_105 = arith.cmpf oge, %select_n3A_100, %ge3A_104 : vector<256x2816xf32>
    %jit3A_106 = arith.constant 1073741824 : i32
    %broadcast_in_dim3A_107 = vector.broadcast %jit3A_106 : i32 to vector<256x2816xi32>
    %select_n3A_108 = arith.select %ge3A_105, %iota3A, %broadcast_in_dim3A_107 : vector<256x2816xi1>, vector<256x2816xi32>
    %reduce_min3A_109 = arith.constant dense<2147483647> : vector<256xi32>
    %reduce_min3A_110 = vector.multi_reduction <minsi>, %select_n3A_108, %reduce_min3A_109 [1] : vector<256x2816xi32> to vector<256xi32>
    %broadcast_in_dim3A_111 = vector.shape_cast %reduce_min3A_110 : vector<256xi32> to vector<256x1xi32>
    %add3A_112 = vector.broadcast %mul3A_41 : i32 to vector<256x1xi32>
    %add3A_113 = arith.addi %broadcast_in_dim3A_111, %add3A_112 : vector<256x1xi32>
    %swap3A_114 = arith.constant 0 : index
    %swap3A_115 = arith.constant 3 : index
    %swap3A_116 = vector.load %arg4[%swap3A_114, %swap3A_115] : memref<256x8xi32, #tpu.memory_space<vmem>>, vector<256x1xi32>
    tpu.vector_store %arg4[%swap3A_114, %swap3A_115], %add3A_113 {strides = array<i32>} : memref<256x8xi32, #tpu.memory_space<vmem>>, vector<256x1xi32>,
    %eq3A_117 = vector.broadcast %broadcast_in_dim3A_111 : vector<256x1xi32> to vector<256x2816xi32>
    %eq3A_118 = arith.cmpi eq, %iota3A, %eq3A_117 : vector<256x2816xi32>
    %jit3A_119 = arith.constant 0xFF800000 : f32
    %broadcast_in_dim3A_120 = vector.broadcast %jit3A_119 : f32 to vector<256x2816xf32>
    %select_n3A_121 = arith.select %eq3A_118, %broadcast_in_dim3A_120, %select_n3A_100 : vector<256x2816xi1>, vector<256x2816xf32>
    %reduce_max3A_122 = arith.constant dense<0xFF800000> : vector<256xf32>
    %reduce_max3A_123 = vector.multi_reduction <maximumf>, %select_n3A_121, %reduce_max3A_122 [1] : vector<256x2816xf32> to vector<256xf32>
    %broadcast_in_dim3A_124 = vector.shape_cast %reduce_max3A_123 : vector<256xf32> to vector<256x1xf32>
    %ge3A_125 = vector.broadcast %broadcast_in_dim3A_124 : vector<256x1xf32> to vector<256x2816xf32>
    %ge3A_126 = arith.cmpf oge, %select_n3A_121, %ge3A_125 : vector<256x2816xf32>
    %jit3A_127 = arith.constant 1073741824 : i32
    %broadcast_in_dim3A_128 = vector.broadcast %jit3A_127 : i32 to vector<256x2816xi32>
    %select_n3A_129 = arith.select %ge3A_126, %iota3A, %broadcast_in_dim3A_128 : vector<256x2816xi1>, vector<256x2816xi32>
    %reduce_min3A_130 = arith.constant dense<2147483647> : vector<256xi32>
    %reduce_min3A_131 = vector.multi_reduction <minsi>, %select_n3A_129, %reduce_min3A_130 [1] : vector<256x2816xi32> to vector<256xi32>
    %broadcast_in_dim3A_132 = vector.shape_cast %reduce_min3A_131 : vector<256xi32> to vector<256x1xi32>
    %add3A_133 = vector.broadcast %mul3A_41 : i32 to vector<256x1xi32>
    %add3A_134 = arith.addi %broadcast_in_dim3A_132, %add3A_133 : vector<256x1xi32>
    %swap3A_135 = arith.constant 0 : index
    %swap3A_136 = arith.constant 4 : index
    %swap3A_137 = vector.load %arg4[%swap3A_135, %swap3A_136] : memref<256x8xi32, #tpu.memory_space<vmem>>, vector<256x1xi32>
    tpu.vector_store %arg4[%swap3A_135, %swap3A_136], %add3A_134 {strides = array<i32>} : memref<256x8xi32, #tpu.memory_space<vmem>>, vector<256x1xi32>,
    return
  }
  func.func @transform_0(%arg0: i32, %arg1: i32) -> (i32, i32) {
    %mul3A = arith.constant 11 : i32
    %mul3A_0 = arith.muli %arg0, %mul3A : i32
    %add3A = arith.addi %mul3A_0, %arg1 : i32
    %c0_i32 = arith.constant 0 : i32
    %c0_i32_1 = arith.constant 0 : i32
    return %add3A, %c0_i32 : i32, i32
  }
  func.func @transform_1(%arg0: i32, %arg1: i32) -> (i32, i32, i32) {
    %c0_i32 = arith.constant 0 : i32
    %c0_i32_0 = arith.constant 0 : i32
    %c0_i32_1 = arith.constant 0 : i32
    return %arg0, %c0_i32, %c0_i32_0 : i32, i32, i32
  }
  func.func @transform_2(%arg0: i32, %arg1: i32) -> (i32, i32) {
    %mul3A = arith.constant 11 : i32
    %mul3A_0 = arith.muli %arg0, %mul3A : i32
    %add3A = arith.addi %mul3A_0, %arg1 : i32
    %c0_i32 = arith.constant 0 : i32
    %c0_i32_1 = arith.constant 0 : i32
    return %add3A, %c0_i32 : i32, i32
  }
}

module attributes {stable_mosaic.version = 14 : i64} {
  func.func @_wvo_body(%arg0: memref<128x512xf32, #tpu.memory_space<vmem>>, %arg1: memref<512x128xf32, #tpu.memory_space<vmem>>, %arg2: memref<128x128xf32, #tpu.memory_space<vmem>>) attributes {dimension_semantics = [], scalar_prefetch = 0 : i64, scratch_operands = 0 : i64, tpu.core_type = #tpu.core_type<tc>} {
    %get3A = arith.constant 0 : index
    %get3A_0 = arith.constant 0 : index
    %get3A_1 = vector.load %arg0[%get3A, %get3A_0] : memref<128x512xf32, #tpu.memory_space<vmem>>, vector<128x512xf32>
    %get3A_2 = arith.constant 0 : index
    %get3A_3 = arith.constant 0 : index
    %get3A_4 = vector.load %arg1[%get3A_2, %get3A_3] : memref<512x128xf32, #tpu.memory_space<vmem>>, vector<512x128xf32>
    %dot_general3A = arith.constant dense<0.000000e+00> : vector<128x128xf32>
    %dot_general3A_5 = tpu.matmul %get3A_1, %get3A_4, %dot_general3A {dimension_numbers = #tpu.dot_dimension_numbers<[1], [0], [0], [1], [0, 0, 1, 1], [], []>, precision = #tpu.contract_precision<fp32>, transpose_lhs_hint = false} : vector<128x512xf32>, vector<512x128xf32>, vector<128x128xf32> -> vector<128x128xf32>
    %swap3A = arith.constant 0 : index
    %swap3A_6 = arith.constant 0 : index
    %swap3A_7 = vector.load %arg2[%swap3A, %swap3A_6] : memref<128x128xf32, #tpu.memory_space<vmem>>, vector<128x128xf32>
    tpu.vector_store %arg2[%swap3A, %swap3A_6], %dot_general3A_5 {strides = array<i32>} : memref<128x128xf32, #tpu.memory_space<vmem>>, vector<128x128xf32>,
    return
  }
}

module attributes {stable_mosaic.version = 14 : i64} {
  func.func @_ep_body(%arg0: i32, %arg1: memref<400x128xf32, #tpu.memory_space<vmem>>, %arg2: memref<400x128xf32, #tpu.memory_space<vmem>>, %arg3: memref<128x128xf32, #tpu.memory_space<vmem>>, %arg4: memref<128x128xf32, #tpu.memory_space<vmem>>, %arg5: memref<1x128xf32, #tpu.memory_space<vmem>>, %arg6: memref<1x128xf32, #tpu.memory_space<vmem>>, %arg7: memref<1x128xf32, #tpu.memory_space<vmem>>, %arg8: memref<1x128xf32, #tpu.memory_space<vmem>>, %arg9: memref<1x128xf32, #tpu.memory_space<vmem>>, %arg10: memref<1x128xf32, #tpu.memory_space<vmem>>, %arg11: memref<400x128xf32, #tpu.memory_space<vmem>>) attributes {dimension_semantics = [#tpu.dimension_semantics<arbitrary>], iteration_bounds = array<i64: 125>, scalar_prefetch = 0 : i64, scratch_operands = 0 : i64, tpu.core_type = #tpu.core_type<tc>, window_params = [{transform_indices = @transform_0, window_bounds = array<i64: 400, 128>}, {transform_indices = @transform_1, window_bounds = array<i64: 400, 128>}, {pipeline_mode = #tpu.pipeline_mode<synchronous>, transform_indices = @transform_2, window_bounds = array<i64: 128, 128>}, {pipeline_mode = #tpu.pipeline_mode<synchronous>, transform_indices = @transform_3, window_bounds = array<i64: 128, 128>}, {pipeline_mode = #tpu.pipeline_mode<synchronous>, transform_indices = @transform_4, window_bounds = array<i64: 1, 128>}, {pipeline_mode = #tpu.pipeline_mode<synchronous>, transform_indices = @transform_5, window_bounds = array<i64: 1, 128>}, {pipeline_mode = #tpu.pipeline_mode<synchronous>, transform_indices = @transform_6, window_bounds = array<i64: 1, 128>}, {pipeline_mode = #tpu.pipeline_mode<synchronous>, transform_indices = @transform_7, window_bounds = array<i64: 1, 128>}, {pipeline_mode = #tpu.pipeline_mode<synchronous>, transform_indices = @transform_8, window_bounds = array<i64: 1, 128>}, {pipeline_mode = #tpu.pipeline_mode<synchronous>, transform_indices = @transform_9, window_bounds = array<i64: 1, 128>}, {transform_indices = @transform_10, window_bounds = array<i64: 400, 128>}]} {
    %get3A = arith.constant 0 : index
    %get3A_0 = arith.constant 0 : index
    %get3A_1 = vector.load %arg1[%get3A, %get3A_0] : memref<400x128xf32, #tpu.memory_space<vmem>>, vector<400x128xf32>
    %get3A_2 = arith.constant 0 : index
    %get3A_3 = arith.constant 0 : index
    %get3A_4 = vector.load %arg2[%get3A_2, %get3A_3] : memref<400x128xf32, #tpu.memory_space<vmem>>, vector<400x128xf32>
    %add3A = arith.addf %get3A_1, %get3A_4 : vector<400x128xf32>
    %get3A_5 = arith.constant 0 : index
    %get3A_6 = arith.constant 0 : index
    %get3A_7 = vector.load %arg3[%get3A_5, %get3A_6] : memref<128x128xf32, #tpu.memory_space<vmem>>, vector<128x128xf32>
    %dot_general3A = arith.constant dense<0.000000e+00> : vector<400x128xf32>
    %dot_general3A_8 = tpu.matmul %add3A, %get3A_7, %dot_general3A {dimension_numbers = #tpu.dot_dimension_numbers<[1], [0], [0], [1], [0, 0, 1, 1], [], []>, transpose_lhs_hint = false} : vector<400x128xf32>, vector<128x128xf32>, vector<400x128xf32> -> vector<400x128xf32>
    %get3A_9 = arith.constant 0 : index
    %get3A_10 = arith.constant 0 : index
    %get3A_11 = vector.load %arg5[%get3A_9, %get3A_10] : memref<1x128xf32, #tpu.memory_space<vmem>>, vector<1x128xf32>
    %add3A_12 = vector.broadcast %get3A_11 : vector<1x128xf32> to vector<400x128xf32>
    %add3A_13 = arith.addf %dot_general3A_8, %add3A_12 : vector<400x128xf32>
    %mul3A = arith.constant 0.999994993 : f32
    %mul3A_14 = vector.broadcast %mul3A : f32 to vector<400x128xf32>
    %mul3A_15 = arith.mulf %add3A_13, %mul3A_14 : vector<400x128xf32>
    %get3A_16 = arith.constant 0 : index
    %get3A_17 = arith.constant 0 : index
    %get3A_18 = vector.load %arg6[%get3A_16, %get3A_17] : memref<1x128xf32, #tpu.memory_space<vmem>>, vector<1x128xf32>
    %mul3A_19 = vector.broadcast %get3A_18 : vector<1x128xf32> to vector<400x128xf32>
    %mul3A_20 = arith.mulf %mul3A_15, %mul3A_19 : vector<400x128xf32>
    %get3A_21 = arith.constant 0 : index
    %get3A_22 = arith.constant 0 : index
    %get3A_23 = vector.load %arg7[%get3A_21, %get3A_22] : memref<1x128xf32, #tpu.memory_space<vmem>>, vector<1x128xf32>
    %add3A_24 = vector.broadcast %get3A_23 : vector<1x128xf32> to vector<400x128xf32>
    %add3A_25 = arith.addf %mul3A_20, %add3A_24 : vector<400x128xf32>
    %max3A = arith.constant 0.000000e+00 : f32
    %max3A_26 = vector.broadcast %max3A : f32 to vector<400x128xf32>
    %max3A_27 = arith.maximumf %add3A_25, %max3A_26 : vector<400x128xf32>
    %get3A_28 = arith.constant 0 : index
    %get3A_29 = arith.constant 0 : index
    %get3A_30 = vector.load %arg4[%get3A_28, %get3A_29] : memref<128x128xf32, #tpu.memory_space<vmem>>, vector<128x128xf32>
    %dot_general3A_31 = arith.constant dense<0.000000e+00> : vector<400x128xf32>
    %dot_general3A_32 = tpu.matmul %max3A_27, %get3A_30, %dot_general3A_31 {dimension_numbers = #tpu.dot_dimension_numbers<[1], [0], [0], [1], [0, 0, 1, 1], [], []>, transpose_lhs_hint = false} : vector<400x128xf32>, vector<128x128xf32>, vector<400x128xf32> -> vector<400x128xf32>
    %get3A_33 = arith.constant 0 : index
    %get3A_34 = arith.constant 0 : index
    %get3A_35 = vector.load %arg8[%get3A_33, %get3A_34] : memref<1x128xf32, #tpu.memory_space<vmem>>, vector<1x128xf32>
    %add3A_36 = vector.broadcast %get3A_35 : vector<1x128xf32> to vector<400x128xf32>
    %add3A_37 = arith.addf %dot_general3A_32, %add3A_36 : vector<400x128xf32>
    %mul3A_38 = arith.constant 0.999994993 : f32
    %mul3A_39 = vector.broadcast %mul3A_38 : f32 to vector<400x128xf32>
    %mul3A_40 = arith.mulf %add3A_37, %mul3A_39 : vector<400x128xf32>
    %get3A_41 = arith.constant 0 : index
    %get3A_42 = arith.constant 0 : index
    %get3A_43 = vector.load %arg9[%get3A_41, %get3A_42] : memref<1x128xf32, #tpu.memory_space<vmem>>, vector<1x128xf32>
    %mul3A_44 = vector.broadcast %get3A_43 : vector<1x128xf32> to vector<400x128xf32>
    %mul3A_45 = arith.mulf %mul3A_40, %mul3A_44 : vector<400x128xf32>
    %get3A_46 = arith.constant 0 : index
    %get3A_47 = arith.constant 0 : index
    %get3A_48 = vector.load %arg10[%get3A_46, %get3A_47] : memref<1x128xf32, #tpu.memory_space<vmem>>, vector<1x128xf32>
    %add3A_49 = vector.broadcast %get3A_48 : vector<1x128xf32> to vector<400x128xf32>
    %add3A_50 = arith.addf %mul3A_45, %add3A_49 : vector<400x128xf32>
    %max3A_51 = arith.constant 0.000000e+00 : f32
    %max3A_52 = vector.broadcast %max3A_51 : f32 to vector<400x128xf32>
    %max3A_53 = arith.maximumf %add3A_50, %max3A_52 : vector<400x128xf32>
    %swap3A = arith.constant 0 : index
    %swap3A_54 = arith.constant 0 : index
    %swap3A_55 = vector.load %arg11[%swap3A, %swap3A_54] : memref<400x128xf32, #tpu.memory_space<vmem>>, vector<400x128xf32>
    tpu.vector_store %arg11[%swap3A, %swap3A_54], %max3A_53 {strides = array<i32>} : memref<400x128xf32, #tpu.memory_space<vmem>>, vector<400x128xf32>,
    return
  }
  func.func @transform_0(%arg0: i32) -> (i32, i32) {
    %c0_i32 = arith.constant 0 : i32
    %c0_i32_0 = arith.constant 0 : i32
    return %arg0, %c0_i32 : i32, i32
  }
  func.func @transform_1(%arg0: i32) -> (i32, i32) {
    %c0_i32 = arith.constant 0 : i32
    %c0_i32_0 = arith.constant 0 : i32
    return %arg0, %c0_i32 : i32, i32
  }
  func.func @transform_2(%arg0: i32) -> (i32, i32) {
    %c0_i32 = arith.constant 0 : i32
    %c0_i32_0 = arith.constant 0 : i32
    %c0_i32_1 = arith.constant 0 : i32
    return %c0_i32, %c0_i32_0 : i32, i32
  }
  func.func @transform_3(%arg0: i32) -> (i32, i32) {
    %c0_i32 = arith.constant 0 : i32
    %c0_i32_0 = arith.constant 0 : i32
    %c0_i32_1 = arith.constant 0 : i32
    return %c0_i32, %c0_i32_0 : i32, i32
  }
  func.func @transform_4(%arg0: i32) -> (i32, i32) {
    %c0_i32 = arith.constant 0 : i32
    %c0_i32_0 = arith.constant 0 : i32
    %c0_i32_1 = arith.constant 0 : i32
    return %c0_i32, %c0_i32_0 : i32, i32
  }
  func.func @transform_5(%arg0: i32) -> (i32, i32) {
    %c0_i32 = arith.constant 0 : i32
    %c0_i32_0 = arith.constant 0 : i32
    %c0_i32_1 = arith.constant 0 : i32
    return %c0_i32, %c0_i32_0 : i32, i32
  }
  func.func @transform_6(%arg0: i32) -> (i32, i32) {
    %c0_i32 = arith.constant 0 : i32
    %c0_i32_0 = arith.constant 0 : i32
    %c0_i32_1 = arith.constant 0 : i32
    return %c0_i32, %c0_i32_0 : i32, i32
  }
  func.func @transform_7(%arg0: i32) -> (i32, i32) {
    %c0_i32 = arith.constant 0 : i32
    %c0_i32_0 = arith.constant 0 : i32
    %c0_i32_1 = arith.constant 0 : i32
    return %c0_i32, %c0_i32_0 : i32, i32
  }
  func.func @transform_8(%arg0: i32) -> (i32, i32) {
    %c0_i32 = arith.constant 0 : i32
    %c0_i32_0 = arith.constant 0 : i32
    %c0_i32_1 = arith.constant 0 : i32
    return %c0_i32, %c0_i32_0 : i32, i32
  }
  func.func @transform_9(%arg0: i32) -> (i32, i32) {
    %c0_i32 = arith.constant 0 : i32
    %c0_i32_0 = arith.constant 0 : i32
    %c0_i32_1 = arith.constant 0 : i32
    return %c0_i32, %c0_i32_0 : i32, i32
  }
  func.func @transform_10(%arg0: i32) -> (i32, i32) {
    %c0_i32 = arith.constant 0 : i32
    %c0_i32_0 = arith.constant 0 : i32
    return %arg0, %c0_i32 : i32, i32
  }
}

</mosaic_0001>

<sc_bundles>
// kernel: kernel.6.cloned.1.call-start
scs
__scs_entry_jumppad:
0x0: {  	(pc) =	sbr.rel $0x88, $3  }
0x1: {  	(tag) =	ssettag $0x0;
	lr =	simm.s32 $0x1  }
0x2: {  	[smem:$0x3F94] =	sst lr;
	_ =	strace $0xD0000000  }
0x3: {  	_ = 	snop  }
0x4: {  	_ = 	snop  }
0x5: {  	_ = 	snop  }
0x6: {  	_ = 	snop  }
0x7: {  	_ = 	snop  }
__scs_overlays_trampoline_lowered:
0x8: {  	[smem:$0x3FA3] =	sst s0  }
0x9: {  	[smem:$0x3FA4] =	sst s1  }
0xa: {  	[smem:$0x3FA5] =	sst s2  }
0xb: {  	[smem:$0x3FA6] =	sst s3  }
0xc: {  	[smem:$0x3FA7] =	sst s4  }
0xd: {  	[smem:$0x3FA8] =	sst s5  }
0xe: {  	[smem:$0x3FA9] =	sst s6  }
0xf: {  	[smem:$0x3FAA] =	sst s7  }
0x10: {  	[smem:$0x3FAB] =	sst s8  }
0x11: {  	[smem:$0x3FAC] =	sst s9;
	s0 =	simm.s32 @!p0 $0x0  }
0x12: {  	s1 =	sld [smem:$0x3F92];
	s0 =	simm.s32 @p0 $0x1  }
0x13: {  	[smem:$0x3FAD] =	sst s0;
	s0 =	simm.s32 @!p1 $0x0  }
0x14: {  	s2 =	sld [smem:$0x3F91];
	s0 =	simm.s32 @p1 $0x1  }
0x15: {  	[smem:$0x3FAE] =	sst s0;
	s0 =	simm.s32 @!p2 $0x0  }
0x16: {  	s3 =	sld [smem:$0x3FDB];
	s0 =	simm.s32 @p2 $0x1  }
0x17: {  	s4 =	simm.s32 $0x1BF5;
	[smem:$0x3FB0] =	sst s0  }
0x18: {  	s0 =	sld [smem:$0x3F93];
	_ =	swait.ge [sflag:s4], $0x0  }
0x19: {  	s7 =	sld [smem:$0x3F94]  }
0x1a: {  	s8 =	sadd.s32 $0xFFFFE003, lr  }
0x1b: {  	s9 =	sadd.s32 $0xFFFFFEF7, lr;
	s5 =	simm.s32 $0xFFFFFFFF;
	p2 =	slt.u32 s8, $0xFFFFF086  }
0x1c: {  	p1 =	slt.u32 s9, $0xF7A;
	s5 =	simm.s32 @!p2 $0x0  }
0x1d: {  	s5 =	simm.s32 @p1 $0x1;
	p0 =	seq.s32 s7, s2  }
0x1e: {  	s7 =	smul.u32 @!p0 $0xF7A, s2;
	p2 =	seq.s32 @!p0 s5, $0x0  }
0x1f: {  	s9 =	smul.u32 $0xF7A, s1;
	s8 =	simm.s32 @!p0 $0x1BF5;
	p2 =	por !p2, p0  }
0x20: {  	[sflag:s8] =	ssyncset.s32 @!p0 $0xFFFFF086;
	s6 =	sadd.s32 @!p0 s3, s7;
	s7 =	simm.s32 @!p0 $0x108  }
0x21: {  	s3 =	sadd.s32 s3, s9;
	s6 =	sadd.s32 @!p0 $0x88, s6;
	s7 =	simm.s32 @p2 $0x1082  }
0x22: {  	[simem:s7], [sflag:s8] =	dma.local @!p0 [hbm:s6], $0xF7A  }
0x23: {  	s9 =	sor.u32 $0xD0000000, s2;
	s6 =	simm.s32 $0x108;
	_ =	swait.ge @!p0 [sflag:s8], $0x0  }
0x24: {  	s3 =	sadd.s32 $0x88, s3;
	s6 =	simm.s32 @!p1 $0x1082;
	[sflag:s4] =	ssyncset.s32 $0xFFFFF086  }
0x25: {  	[simem:s6], [sflag:s4] =	dma.local [hbm:s3], $0xF7A  }
0x26: {  	[smem:$0x3F94] =	sst s1;
	(tag) =	ssettag s2;
	_ =	strace s9  }
0x27: {  	s1 =	sld [smem:$0x3FA4]  }
0x28: {  	s2 =	sld [smem:$0x3FA5]  }
0x29: {  	s4 =	sld [smem:$0x3FA7]  }
0x2a: {  	p0 =	seq.s32 s5, $0x0;
	s5 =	sld [smem:$0x3FA8]  }
0x2b: {  	s6 =	sld [smem:$0x3FA9]  }
0x2c: {  	s7 =	sld [smem:$0x3FAA]  }
0x2d: {  	s3 =	simm.s32 $0x108;
	s8 =	sld [smem:$0x3FAB]  }
0x2e: {  	s3 =	simm.s32 @!p0 $0x1082;
	s9 =	sld [smem:$0x3FAC]  }
0x2f: {  	lr =	sadd.s32 s0, s3;
	s0 =	sld [smem:$0x3FA3]  }
0x30: {  	s3 =	sld [smem:$0x3FA6]  }
0x31: {  	[smem:$0x3FAF] =	sst s10  }
0x32: {  	s10 =	sld [smem:$0x3FAD];
	_ =	sdelay $0x3  }
0x33: {  	p0 =	seq.s32 s10, $0x1;
	s10 =	sld [smem:$0x3FAF];
	_ =	sdelay $0x3  }
0x34: {  	[smem:$0x3FAF] =	sst s10  }
0x35: {  	s10 =	sld [smem:$0x3FAE];
	_ =	sdelay $0x3  }
0x36: {  	p1 =	seq.s32 s10, $0x1;
	s10 =	sld [smem:$0x3FAF];
	_ =	sdelay $0x3  }
0x37: {  	[smem:$0x3FAF] =	sst s10  }
0x38: {  	s10 =	sld [smem:$0x3FB0]  }
0x39: {  	_ = 	snop;
	(pc) =	sbr.ind lr, $3  }
0x3a: {  	_ = 	snop  }
0x3b: {  	_ = 	snop  }
0x3c: {  	p2 =	seq.s32 s10, $0x1;
	s10 =	sld [smem:$0x3FAF]  }
0x3d: {  	_ =	shalt  }
0x3e: {  	_ =	shalt  }
0x3f: {  	_ =	shalt  }
0x40: {  	_ =	shalt  }
0x41: {  	_ =	shalt  }
0x42: {  	_ =	shalt  }
0x43: {  	_ =	shalt  }
0x44: {  	_ =	shalt  }
0x45: {  	_ =	shalt  }
0x46: {  	_ =	shalt  }
0x47: {  	_ =	shalt  }
0x48: {  	_ =	shalt  }
0x49: {  	_ =	shalt  }
0x4a: {  	_ =	shalt  }
0x4b: {  	_ =	shalt  }
0x4c: {  	_ =	shalt  }
0x4d: {  	_ =	shalt  }
0x4e: {  	_ =	shalt  }
0x4f: {  	_ =	shalt  }
0x50: {  	_ =	shalt  }
0x51: {  	_ =	shalt  }
0x52: {  	_ =	shalt  }
0x53: {  	_ =	shalt  }
0x54: {  	_ =	shalt  }
0x55: {  	_ =	shalt  }
0x56: {  	_ =	shalt  }
0x57: {  	_ =	shalt  }
0x58: {  	_ =	shalt  }
0x59: {  	_ =	shalt  }
0x5a: {  	_ =	shalt  }
0x5b: {  	_ =	shalt  }
0x5c: {  	_ =	shalt  }
0x5d: {  	_ =	shalt  }
0x5e: {  	_ =	shalt  }
0x5f: {  	_ =	shalt  }
0x60: {  	_ =	shalt  }
0x61: {  	_ =	shalt  }
0x62: {  	_ =	shalt  }
0x63: {  	_ =	shalt  }
0x64: {  	_ =	shalt  }
0x65: {  	_ =	shalt  }
0x66: {  	_ =	shalt  }
0x67: {  	_ =	shalt  }
0x68: {  	_ =	shalt  }
0x69: {  	_ =	shalt  }
0x6a: {  	_ =	shalt  }
0x6b: {  	_ =	shalt  }
0x6c: {  	_ =	shalt  }
0x6d: {  	_ =	shalt  }
0x6e: {  	_ =	shalt  }
0x6f: {  	_ =	shalt  }
0x70: {  	_ =	shalt  }
0x71: {  	_ =	shalt  }
0x72: {  	_ =	shalt  }
0x73: {  	_ =	shalt  }
0x74: {  	_ =	shalt  }
0x75: {  	_ =	shalt  }
0x76: {  	_ =	shalt  }
0x77: {  	_ =	shalt  }
0x78: {  	_ =	shalt  }
0x79: {  	_ =	shalt  }
0x7a: {  	_ =	shalt  }
0x7b: {  	_ =	shalt  }
0x7c: {  	_ =	shalt  }
0x7d: {  	_ =	shalt  }
0x7e: {  	_ =	shalt  }
0x7f: {  	_ =	shalt  }
0x80: {  	_ =	shalt  }
0x81: {  	_ =	shalt  }
0x82: {  	_ =	shalt  }
0x83: {  	_ =	shalt  }
0x84: {  	_ =	shalt  }
0x85: {  	_ =	shalt  }
0x86: {  	_ =	shalt  }
0x87: {  	_ =	shalt  }
.Lfunc_end0:
.L_simem_size_0:
called_computation_lowered:
.L_overlay_start_0:
0x88: {  	s2 =	sld [smem:$0x3FD9]  }
0x89: {  	s3 =	sld [smem:$0x3FFE];
	_ =	sdelay $0x1  }
0x8a: {  	s1 =	srdreg.scid  }
0x8b: {  	s0 =	sand.u32 $0x1, s1  }
0x8c: {  	s17 =	sshll.u32 s0, $0xA;
	s2 =	sadd.s32 s3, s2  }
0x8d: {  	s2 =	sadd.s32 s2, s17  }
0x8e: {  	[smem:$0x3FBB] =	sst s2  }
0x8f: {  	_ = 	snop  }
0x90: {  	s2 =	sld [smem:$0x3FC9]  }
0x91: {  	s18 =	sld [smem:$0x3FD0];
	(tm) =	ssettm $0x1  }
0x92: {  	s4 =	sld [smem:$0x3FFB];
	_ =	sdelay $0x3  }
0x93: {  	_ =	strace s4  }
0x94: {  	s4 =	sld [smem:$0x3FFC];
	_ =	sdelay $0x3  }
0x95: {  	_ =	strace s4  }
0x96: {  	s4 =	sld [smem:$0x3FFD];
	_ =	sdelay $0x3  }
0x97: {  	_ =	strace s4  }
0x98: {  	_ =	strace $0x8FFFFFFF  }
0x99: {  	s19 =	sld [smem:$0x3FDB];
	_ =	sdelay $0x1  }
0x9a: {  	s5 =	simm.s32 $_scs_section_size  }
0x9b: {  	s6 =	simm.s32 $_size__tile_overlayer_lowered;
	s7 =	simm.s32 $_tile_overlayer_lowered  }
0x9c: {  	s22 =	simm.s32 $0x1BFF;
	s21 =	sshll.u32 s7, $0x1;
	s4 =	sadd.s32 s5, s19  }
0x9d: {  	s8 =	simm.s32 $0x0;
	s20 =	sshll.u32 s6, $0x1;
	s6 =	sadd.s32 s21, s4  }
0x9e: {  	[timem:s8], [sflag:s22] =	dma.local [hbm:s6], s20  }
0x9f: {  	_ =	swait.ge [sflag:s22], s20  }
0xa0: {  	s5 =	ssub.s32 $0x0, s20;
	[sflag:s22] =	ssyncset.done $0x0  }
0xa1: {  	[sflag:s22] =	ssyncadd.s32 s5;
	_ =	sdelay $0x1  }
0xa2: {  	s23 =	simm.s32 $0x1B8B  }
0xa3: {  	_ =	swait.ge [sflag:s23], $0x1  }
0xa4: {  	[sflag:s23] =	ssyncset.done $0x0  }
0xa5: {  	s25 =	simm.s32 $0x1B8E;
	s24 =	sld [smem:$0x3FFE];
	[sflag:s23] =	ssyncadd.s32 $0xFFFFFFFF  }
0xa6: {  	s26 =	simm.s32 $execute0_lowered;
	[smem:$0x3FD2] =	sst s25  }
0xa7: {  	s6 =	sshll.u32 s26, $0x1;
	_ =	strace $0x80000046;
	[dreg:$0x1] =	wrdreg $0xFFFFFFFF  }
0xa8: {  	s28 =	simm.s32 $_size_execute0_lowered;
	s4 =	sadd.s32 s4, s6;
	[dreg:$0x0] =	wrdreg $0x0  }
0xa9: {  	s6 =	sshll.u32 s28, $0x1;
	[dreg:$0x2] =	wrdreg s4  }
0xaa: {  	[dreg:$0x3] =	wrdreg s6  }
0xab: {  	[dreg:$0x4] =	wrdreg $0xC0  }
0xac: {  	_ =	task [dreg:s8], $0x5FFFF  }
0xad: {  	[dreg:$0x1] =	wrdreg $0xFFFFFFFF  }
0xae: {  	[dreg:$0x0] =	wrdreg $0x60  }
0xaf: {  	[dreg:$0x2] =	wrdreg s2  }
0xb0: {  	[dreg:$0x3] =	wrdreg s18  }
0xb1: {  	[dreg:$0x4] =	wrdreg s24  }
0xb2: {  	[dreg:$0x5] =	wrdreg $0x9  }
0xb3: {  	_ =	task.clear_ibuf [dreg:s8], $0x6FFFF;
	_ =	strace $0x90000046  }
0xb4: {  	s29 =	simm.s32 $0x9;
	_ =	strace $0x80000048  }
0xb5: {  	_ =	swait.ge [sflag:s29], $0x1  }
0xb6: {  	[sflag:s29] =	ssyncadd.s32 $0xFFFFFFFF  }
0xb7: {  	_ =	strace $0x90000048  }
0xb8: {  	_ =	sfence  }
0xb9: {  	s30 =	sld [smem:$0x0];
	_ =	sdelay $0x2  }
0xba: {  	s31 =	sshll.u32 s1, $0xD;
	s1 =	sshrl.u32 s1, $0x2  }
0xbb: {  	s3 =	sand.u32 $0x4000, s31;
	s1 =	sadd.s32 s1, s30  }
0xbc: {  	s0 =	sor.u32 s3, s0;
	s1 =	sshll.u32 s1, $0x11  }
0xbd: {  	s0 =	sor.u32 s1, s0  }
0xbe: {  	s0 =	sadd.s32 $0x8F2B, s0  }
0xbf: {  	[sflag:s0] =	ssyncadd.remote.s32 $0x1  }
0xc0: {  	_ =	sfence.sel $0xFFFF  }
0xc1: {  	[dreg:$0x0] =	wrdreg $0xFFFFFFFF;
	(pc) =	sbr.abs _section_cstart, $3  }
0xc2: {  	[dreg:$0x1] =	wrdreg $0xFFFFFFFF  }
0xc3: {  	_ =	task.clear_ibuf [dreg:s8], $0x2FFFF;
	_ =	strace $0x9FFFFFFF  }
0xc4: {  	(tm) =	ssettm $0x7FFFFFFF  }
0xc5: {  	_ =	shalt  }
tec
execute0_lowered:
.L_overlay_start_1:
0x0: {  	(tag) =	ssettag $0x1  }
0x1: {  	s1 =	rddreg [dreg:$0x0]  }
0x2: {  	s5 =	rddreg [dreg:$0x1]  }
0x3: {  	s2 =	srdreg.scid;
	s0 =	stileid.u32  }
0x4: {  	s4 =	rddreg [dreg:$0x2];
	s3 =	simm.s32 $0x0;
	s10 =	simm.s32 $0x3400  }
0x5: {  	s11 =	simm.s32 $0x80;
	s12 =	simm.s32 $0x5C00;
	s13 =	simm.s32 $0x100  }
0x6: {  	s14 =	simm.s32 $0x8400;
	s15 =	simm.s32 $0x180;
	s16 =	simm.s32 $0xAC00  }
0x7: {  	s17 =	simm.s32 $0xD400;
	s18 =	simm.s32 $0xFC00;
	s19 =	simm.s32 $0x12400  }
0x8: {  	s20 =	simm.s32 $0x14C00;
	s21 =	simm.s32 $0x1;
	s22 =	simm.s32 $0x17400  }
0x9: {  	s23 =	simm.s32 $0x2;
	s6 =	sand.u32 $0x1, s2;
	s7 =	sshll.u32 s0, $0x1  }
0xa: {  	s24 =	simm.s32 $0x0;
	s2 =	rddreg [dreg:$0x3];
	s7 =	sor.u32 s6, s7  }
0xb: {  	[smem:$0x7FF] =	sst s3;
	s6 =	ssub.s32 $0x2, s6;
	s8 =	smul.u32 $0x680, s7  }
0xc: {  	s4 =	sadd.s32 $0x1E00, s4;
	_ =	strace $0x80000047;
	s9 =	sshrl.u32 s6, $0x1  }
0xd: {  	s9 =	ssub.s32 s6, s9;
	s6 =	smul.u32 $0x34000, s7;
	s5 =	sadd.s32 s5, s8  }
0xe: {  	s7 =	smax.u32 s9, $0x1;
	s8 =	simm.s32 $0x3;
	s9 =	simm.s32 $0x50  }
.LBB2_1:
0xf: {  	[tilespmem:s3], [sflag:$0x3] =	stream.linear.gather [hbm4b:s5+s3], $0x3400, $0x38;
	[tilespmem:$0x19400] =	vst v63  }
0x10: {  	_ =	swait.ge [sflag:s8], $0x3400  }
0x11: {  	[sflag:s8] =	ssyncset.done $0x0  }
0x12: {  	[sflag:s8] =	ssyncadd.s32 $0xFFFFCC00  }
0x13: {  	[tilespmem:s10], [sflag:$0x1] =	stream.indirect.gather [hbm4b:s1+s9], $0x80, s3, s9, $0xb8;
	[tilespmem:$0x19400] =	vst v63  }
0x14: {  	_ = 	snop  }
0x15: {  	[tilespmem:s12], [sflag:$0x1] =	stream.indirect.gather [hbm4b:s1+s9], $0x80, s11, s9, $0xb8;
	[tilespmem:$0x19400] =	vst v63  }
0x16: {  	_ = 	snop  }
0x17: {  	[tilespmem:s14], [sflag:$0x1] =	stream.indirect.gather [hbm4b:s1+s9], $0x80, s13, s9, $0xb8;
	[tilespmem:$0x19400] =	vst v63  }
0x18: {  	s25 =	simm.s32 $0x0  }
0x19: {  	[tilespmem:s16], [sflag:$0x1] =	stream.indirect.gather [hbm4b:s1+s9], $0x80, s15, s9, $0xb8;
	[tilespmem:$0x19400] =	vst v63  }
.LBB2_2:
0x1a: {  	s26 =	sshllo.u32 s25, $0x1  }
0x1b: {  	s28 =	sshll.u32 s26, $0x9  }
0x1c: {  	s28 =	sand.u32 $0x3FFFFE00, s28  }
0x1d: {  	[tilespmem:s17], [sflag:$0x2] =	stream.indirect.gather [hbm4b:s1+s9], $0x80, s28, s9, $0xb8;
	[tilespmem:$0x19400] =	vst v63  }
0x1e: {  	s29 =	sor.u32 $0x80, s28  }
0x1f: {  	[tilespmem:s18], [sflag:$0x2] =	stream.indirect.gather [hbm4b:s1+s9], $0x80, s29, s9, $0xb8;
	[tilespmem:$0x19400] =	vst v63  }
0x20: {  	s29 =	sor.u32 $0x100, s28  }
0x21: {  	[tilespmem:s19], [sflag:$0x2] =	stream.indirect.gather [hbm4b:s1+s9], $0x80, s29, s9, $0xb8;
	[tilespmem:$0x19400] =	vst v63  }
0x22: {  	s28 =	sor.u32 $0x180, s28  }
0x23: {  	[tilespmem:s20], [sflag:$0x2] =	stream.indirect.gather [hbm4b:s1+s9], $0x80, s28, s9, $0xb8;
	[tilespmem:$0x19400] =	vst v63  }
0x24: {  	_ =	swait.ge [sflag:s21], $0xA000  }
0x25: {  	[sflag:s21] =	ssyncset.done $0x0  }
0x26: {  	s28 =	simm.s32 $0x3540;
	[sflag:s21] =	ssyncadd.s32 $0xFFFF6000  }
0x27: {  	v0 =	vld [tilespmem:s28+$0xFFFFFF40]  }
0x28: {  	v1 =	vld [tilespmem:s28+$0xFFFFFEC0];
	_ =	sdelay $0x1  }
0x29: {  	v2 =	vld [tilespmem:s28+$0xFFFFFFC0];
	_ =	sdelay $0x1  }
0x2a: {  	v3 =	vld [tilespmem:s28+$0x40]  }
0x2b: {  	v0 =	vadd.f32 v0, v1  }
0x2c: {  	v1 =	vld [tilespmem:s28+$0xC0]  }
0x2d: {  	v0 =	vadd.f32 v2, v0;
	_ =	sdelay $0x1  }
0x2e: {  	v0 =	vadd.f32 v3, v0;
	_ =	sdelay $0x1  }
0x2f: {  	v0 =	vadd.f32 v1, v0  }
0x30: {  	s29 =	simm.s32 $0x0  }
0x31: {  	[tilespmem:s29+$0x17400] =	vst v0  }
0x32: {  	v0 =	vld [tilespmem:s28+$0xFFFFFED0]  }
0x33: {  	v1 =	vld [tilespmem:s28+$0xFFFFFF50];
	_ =	sdelay $0x1  }
0x34: {  	v2 =	vld [tilespmem:s28+$0xFFFFFFD0];
	_ =	sdelay $0x1  }
0x35: {  	v3 =	vld [tilespmem:s28+$0x50]  }
0x36: {  	v0 =	vadd.f32 v1, v0  }
0x37: {  	v1 =	vld [tilespmem:s28+$0xD0]  }
0x38: {  	v0 =	vadd.f32 v2, v0;
	_ =	sdelay $0x1  }
0x39: {  	v0 =	vadd.f32 v3, v0;
	_ =	sdelay $0x1  }
0x3a: {  	v0 =	vadd.f32 v1, v0;
	_ =	sdelay $0x1  }
0x3b: {  	[tilespmem:s29+$0x17410] =	vst v0  }
0x3c: {  	v0 =	vld [tilespmem:s28+$0xFFFFFEE0]  }
0x3d: {  	v1 =	vld [tilespmem:s28+$0xFFFFFF60];
	_ =	sdelay $0x1  }
0x3e: {  	v2 =	vld [tilespmem:s28+$0xFFFFFFE0];
	_ =	sdelay $0x1  }
0x3f: {  	v3 =	vld [tilespmem:s28+$0x60]  }
0x40: {  	v0 =	vadd.f32 v1, v0  }
0x41: {  	v1 =	vld [tilespmem:s28+$0xE0]  }
0x42: {  	v0 =	vadd.f32 v2, v0;
	_ =	sdelay $0x1  }
0x43: {  	v0 =	vadd.f32 v3, v0;
	_ =	sdelay $0x1  }
0x44: {  	v0 =	vadd.f32 v1, v0;
	_ =	sdelay $0x1  }
0x45: {  	[tilespmem:s29+$0x17420] =	vst v0  }
0x46: {  	v0 =	vld [tilespmem:s28+$0xFFFFFEF0]  }
0x47: {  	v1 =	vld [tilespmem:s28+$0xFFFFFF70];
	_ =	sdelay $0x1  }
0x48: {  	v2 =	vld [tilespmem:s28+$0xFFFFFFF0];
	_ =	sdelay $0x1  }
0x49: {  	v3 =	vld [tilespmem:s28+$0x70]  }
0x4a: {  	v0 =	vadd.f32 v1, v0  }
0x4b: {  	v1 =	vld [tilespmem:s28+$0xF0]  }
0x4c: {  	v0 =	vadd.f32 v2, v0;
	_ =	sdelay $0x1  }
0x4d: {  	v0 =	vadd.f32 v3, v0;
	_ =	sdelay $0x1  }
0x4e: {  	v0 =	vadd.f32 v1, v0;
	_ =	sdelay $0x1  }
0x4f: {  	[tilespmem:s29+$0x17430] =	vst v0  }
0x50: {  	v0 =	vld [tilespmem:s28+$0xFFFFFF00]  }
0x51: {  	v1 =	vld [tilespmem:s28+$0xFFFFFF80];
	_ =	sdelay $0x1  }
0x52: {  	v2 =	vld [tilespmem:s28+$0x0];
	_ =	sdelay $0x1  }
0x53: {  	v3 =	vld [tilespmem:s28+$0x80]  }
0x54: {  	v0 =	vadd.f32 v1, v0  }
0x55: {  	v1 =	vld [tilespmem:s28+$0x100]  }
0x56: {  	v0 =	vadd.f32 v2, v0;
	_ =	sdelay $0x1  }
0x57: {  	v0 =	vadd.f32 v3, v0;
	_ =	sdelay $0x1  }
0x58: {  	v0 =	vadd.f32 v1, v0;
	_ =	sdelay $0x1  }
0x59: {  	[tilespmem:s29+$0x17440] =	vst v0  }
0x5a: {  	v0 =	vld [tilespmem:s28+$0xFFFFFF10]  }
0x5b: {  	v1 =	vld [tilespmem:s28+$0xFFFFFF90];
	_ =	sdelay $0x1  }
0x5c: {  	v2 =	vld [tilespmem:s28+$0x10];
	_ =	sdelay $0x1  }
0x5d: {  	v3 =	vld [tilespmem:s28+$0x90]  }
0x5e: {  	v0 =	vadd.f32 v1, v0  }
0x5f: {  	v1 =	vld [tilespmem:s28+$0x110]  }
0x60: {  	v0 =	vadd.f32 v2, v0;
	_ =	sdelay $0x1  }
0x61: {  	v0 =	vadd.f32 v3, v0;
	_ =	sdelay $0x1  }
0x62: {  	v0 =	vadd.f32 v1, v0;
	_ =	sdelay $0x1  }
0x63: {  	[tilespmem:s29+$0x17450] =	vst v0  }
0x64: {  	v0 =	vld [tilespmem:s28+$0xFFFFFF20]  }
0x65: {  	v1 =	vld [tilespmem:s28+$0xFFFFFFA0];
	_ =	sdelay $0x1  }
0x66: {  	v2 =	vld [tilespmem:s28+$0x20];
	_ =	sdelay $0x1  }
0x67: {  	v3 =	vld [tilespmem:s28+$0xA0]  }
0x68: {  	v0 =	vadd.f32 v1, v0  }
0x69: {  	v1 =	vld [tilespmem:s28+$0x120]  }
0x6a: {  	v0 =	vadd.f32 v2, v0;
	_ =	sdelay $0x1  }
0x6b: {  	v0 =	vadd.f32 v3, v0;
	_ =	sdelay $0x1  }
0x6c: {  	v0 =	vadd.f32 v1, v0;
	_ =	sdelay $0x1  }
0x6d: {  	[tilespmem:s29+$0x17460] =	vst v0  }
0x6e: {  	v3 =	vld [tilespmem:s28+$0xFFFFFF30]  }
0x6f: {  	v4 =	vld [tilespmem:s28+$0xFFFFFFB0]  }
0x70: {  	v2 =	vld [tilespmem:s28+$0x30]  }
0x71: {  	v1 =	vld [tilespmem:s28+$0xB0]  }
0x72: {  	s30 =	simm.s32 $0x200;
	v0 =	vld [tilespmem:s28+$0x130]  }
.LBB2_3:
0x73: {  	p0 =	sne.s32 s30, $0x7E00  }
0x74: {  	s28 =	sadd.s32 $0x280, s28;
	s31 =	smov.u32 s30;
	s30 =	sadd.s32 $0x200, s30;
	v3 =	vadd.f32 v4, v3  }
0x75: {  	_ = 	snop  }
0x76: {  	v2 =	vadd.f32 v2, v3;
	_ =	sdelay $0x1  }
0x77: {  	v1 =	vadd.f32 v1, v2;
	_ =	sdelay $0x1  }
0x78: {  	v0 =	vadd.f32 v0, v1;
	_ =	sdelay $0x1  }
0x79: {  	[tilespmem:s29+$0x17470] =	vst v0  }
0x7a: {  	v0 =	vld [tilespmem:s28+$0xFFFFFF40]  }
0x7b: {  	v1 =	vld [tilespmem:s28+$0xFFFFFEC0]  }
0x7c: {  	v2 =	vld [tilespmem:s28+$0xFFFFFFC0];
	_ =	sdelay $0x2  }
0x7d: {  	v3 =	vld [tilespmem:s28+$0x40]  }
0x7e: {  	v0 =	vadd.f32 v0, v1  }
0x7f: {  	v1 =	vld [tilespmem:s28+$0xC0]  }
0x80: {  	v0 =	vadd.f32 v2, v0;
	_ =	sdelay $0x1  }
0x81: {  	v0 =	vadd.f32 v3, v0;
	_ =	sdelay $0x1  }
0x82: {  	v0 =	vadd.f32 v1, v0  }
0x83: {  	s29 =	sshra.s32 s31, $0x2  }
0x84: {  	[tilespmem:s29+$0x17400] =	vst v0  }
0x85: {  	v0 =	vld [tilespmem:s28+$0xFFFFFED0]  }
0x86: {  	v1 =	vld [tilespmem:s28+$0xFFFFFF50];
	_ =	sdelay $0x1  }
0x87: {  	v2 =	vld [tilespmem:s28+$0xFFFFFFD0];
	_ =	sdelay $0x1  }
0x88: {  	v3 =	vld [tilespmem:s28+$0x50]  }
0x89: {  	v0 =	vadd.f32 v1, v0  }
0x8a: {  	v1 =	vld [tilespmem:s28+$0xD0]  }
0x8b: {  	v0 =	vadd.f32 v2, v0;
	_ =	sdelay $0x1  }
0x8c: {  	v0 =	vadd.f32 v3, v0;
	_ =	sdelay $0x1  }
0x8d: {  	v0 =	vadd.f32 v1, v0;
	_ =	sdelay $0x1  }
0x8e: {  	[tilespmem:s29+$0x17410] =	vst v0  }
0x8f: {  	v0 =	vld [tilespmem:s28+$0xFFFFFEE0]  }
0x90: {  	v1 =	vld [tilespmem:s28+$0xFFFFFF60];
	_ =	sdelay $0x1  }
0x91: {  	v2 =	vld [tilespmem:s28+$0xFFFFFFE0];
	_ =	sdelay $0x1  }
0x92: {  	v3 =	vld [tilespmem:s28+$0x60]  }
0x93: {  	v0 =	vadd.f32 v1, v0  }
0x94: {  	v1 =	vld [tilespmem:s28+$0xE0]  }
0x95: {  	v0 =	vadd.f32 v2, v0;
	_ =	sdelay $0x1  }
0x96: {  	v0 =	vadd.f32 v3, v0;
	_ =	sdelay $0x1  }
0x97: {  	v0 =	vadd.f32 v1, v0;
	_ =	sdelay $0x1  }
0x98: {  	[tilespmem:s29+$0x17420] =	vst v0  }
0x99: {  	v0 =	vld [tilespmem:s28+$0xFFFFFEF0]  }
0x9a: {  	v1 =	vld [tilespmem:s28+$0xFFFFFF70];
	_ =	sdelay $0x1  }
0x9b: {  	v2 =	vld [tilespmem:s28+$0xFFFFFFF0];
	_ =	sdelay $0x1  }
0x9c: {  	v3 =	vld [tilespmem:s28+$0x70]  }
0x9d: {  	v0 =	vadd.f32 v1, v0  }
0x9e: {  	v1 =	vld [tilespmem:s28+$0xF0]  }
0x9f: {  	v0 =	vadd.f32 v2, v0;
	_ =	sdelay $0x1  }
0xa0: {  	v0 =	vadd.f32 v3, v0;
	_ =	sdelay $0x1  }
0xa1: {  	v0 =	vadd.f32 v1, v0;
	_ =	sdelay $0x1  }
0xa2: {  	[tilespmem:s29+$0x17430] =	vst v0  }
0xa3: {  	v0 =	vld [tilespmem:s28+$0xFFFFFF00]  }
0xa4: {  	v1 =	vld [tilespmem:s28+$0xFFFFFF80];
	_ =	sdelay $0x1  }
0xa5: {  	v2 =	vld [tilespmem:s28+$0x0];
	_ =	sdelay $0x1  }
0xa6: {  	v3 =	vld [tilespmem:s28+$0x80]  }
0xa7: {  	v0 =	vadd.f32 v1, v0  }
0xa8: {  	v1 =	vld [tilespmem:s28+$0x100]  }
0xa9: {  	v0 =	vadd.f32 v2, v0;
	_ =	sdelay $0x1  }
0xaa: {  	v0 =	vadd.f32 v3, v0;
	_ =	sdelay $0x1  }
0xab: {  	v0 =	vadd.f32 v1, v0;
	_ =	sdelay $0x1  }
0xac: {  	[tilespmem:s29+$0x17440] =	vst v0  }
0xad: {  	v0 =	vld [tilespmem:s28+$0xFFFFFF10]  }
0xae: {  	v1 =	vld [tilespmem:s28+$0xFFFFFF90]  }
0xaf: {  	v2 =	vld [tilespmem:s28+$0x10]  }
0xb0: {  	v3 =	vld [tilespmem:s28+$0x90]  }
0xb1: {  	v4 =	vld [tilespmem:s28+$0x110];
	_ =	sdelay $0x1  }
0xb2: {  	v0 =	vadd.f32 v1, v0;
	_ =	sdelay $0x1  }
0xb3: {  	v0 =	vadd.f32 v2, v0;
	_ =	sdelay $0x1  }
0xb4: {  	v0 =	vadd.f32 v3, v0;
	_ =	sdelay $0x1  }
0xb5: {  	v0 =	vadd.f32 v4, v0;
	_ =	sdelay $0x1  }
0xb6: {  	[tilespmem:s29+$0x17450] =	vst v0  }
0xb7: {  	v0 =	vld [tilespmem:s28+$0xFFFFFF20]  }
0xb8: {  	v1 =	vld [tilespmem:s28+$0xFFFFFFA0]  }
0xb9: {  	v2 =	vld [tilespmem:s28+$0x20]  }
0xba: {  	v3 =	vld [tilespmem:s28+$0xA0]  }
0xbb: {  	v4 =	vld [tilespmem:s28+$0x120];
	_ =	sdelay $0x1  }
0xbc: {  	v0 =	vadd.f32 v1, v0;
	_ =	sdelay $0x1  }
0xbd: {  	v0 =	vadd.f32 v2, v0;
	_ =	sdelay $0x1  }
0xbe: {  	v0 =	vadd.f32 v3, v0;
	_ =	sdelay $0x1  }
0xbf: {  	v0 =	vadd.f32 v4, v0;
	_ =	sdelay $0x1  }
0xc0: {  	[tilespmem:s29+$0x17460] =	vst v0  }
.Ltmp0:
0xc1: {  	v3 =	vld [tilespmem:s28+$0xFFFFFF30];
	(pc) =	sbr.rel @p0 .LBB2_3-.Ltmp0, $4  }
0xc2: {  	v4 =	vld [tilespmem:s28+$0xFFFFFFB0]  }
0xc3: {  	v2 =	vld [tilespmem:s28+$0x30]  }
0xc4: {  	v1 =	vld [tilespmem:s28+$0xB0]  }
0xc5: {  	v0 =	vld [tilespmem:s28+$0x130]  }
0xc6: {  	_ = 	snop  }
0xc7: {  	v3 =	vadd.f32 v4, v3;
	_ =	sdelay $0x1  }
0xc8: {  	v2 =	vadd.f32 v2, v3;
	_ =	sdelay $0x1  }
0xc9: {  	v1 =	vadd.f32 v1, v2  }
0xca: {  	s28 =	sshll.u32 s25, $0xE  }
0xcb: {  	s28 =	sadd.s32 s6, s28;
	v0 =	vadd.f32 v0, v1  }
0xcc: {  	s28 =	sshrl.u32 s28, $0x3  }
0xcd: {  	p0 =	seq.s32 s25, $0xC;
	s28 =	sadd.s32 s4, s28;
	[tilespmem:s29+$0x17470] =	vst v0  }
0xce: {  	[hbm4b:s28+s3] =	stream.linear.scatter [tilespmem:s22], [sflag:$0x3], $0x2000, $0x38;
	[tilespmem:$0x19400] =	vst v63  }
0xcf: {  	s28 =	sshll.u32 @!p0 s25, $0xA;
	_ =	swait.ge [sflag:s8], $0x2000  }
0xd0: {  	s30 =	simm.s32 @!p0 $0x50;
	s28 =	sand.u32 @!p0 $0x3FFFFC00, s28;
	[sflag:s8] =	ssyncset.done $0x0  }
0xd1: {  	s31 =	simm.s32 @!p0 $0x3400;
	s29 =	sadd.s32 @!p0 $0x400, s28;
	[sflag:s8] =	ssyncadd.s32 $0xFFFFE000  }
0xd2: {  	[tilespmem:s31], [sflag:$0x1] =	stream.indirect.gather @!p0 [hbm4b:s1+s30], $0x80, s29, s30, $0xb8;
	[tilespmem:$0x19400] =	vst v63  }
0xd3: {  	s29 =	sadd.s32 @!p0 $0x480, s28;
	s31 =	simm.s32 @!p0 $0x5C00  }
0xd4: {  	[tilespmem:s31], [sflag:$0x1] =	stream.indirect.gather @!p0 [hbm4b:s1+s30], $0x80, s29, s30, $0xb8;
	[tilespmem:$0x19400] =	vst v63  }
0xd5: {  	s29 =	sadd.s32 @!p0 $0x500, s28;
	s31 =	simm.s32 @!p0 $0x8400  }
0xd6: {  	[tilespmem:s31], [sflag:$0x1] =	stream.indirect.gather @!p0 [hbm4b:s1+s30], $0x80, s29, s30, $0xb8;
	[tilespmem:$0x19400] =	vst v63  }
0xd7: {  	s28 =	sadd.s32 @!p0 $0x580, s28;
	s29 =	simm.s32 @!p0 $0xAC00  }
0xd8: {  	[tilespmem:s29], [sflag:$0x1] =	stream.indirect.gather @!p0 [hbm4b:s1+s30], $0x80, s28, s30, $0xb8;
	[tilespmem:$0x19400] =	vst v63  }
0xd9: {  	_ =	swait.ge [sflag:s23], $0xA000  }
0xda: {  	[sflag:s23] =	ssyncset.done $0x0  }
0xdb: {  	s29 =	simm.s32 $0x0;
	[sflag:s23] =	ssyncadd.s32 $0xFFFF6000  }
0xdc: {  	v0 =	vld [tilespmem:s29+$0xD400]  }
0xdd: {  	v1 =	vld [tilespmem:s29+$0xD480];
	_ =	sdelay $0x1  }
0xde: {  	v2 =	vld [tilespmem:s29+$0xD500];
	_ =	sdelay $0x1  }
0xdf: {  	v3 =	vld [tilespmem:s29+$0xD580]  }
0xe0: {  	v0 =	vadd.f32 v1, v0  }
0xe1: {  	v1 =	vld [tilespmem:s29+$0xD600]  }
0xe2: {  	v0 =	vadd.f32 v2, v0;
	_ =	sdelay $0x1  }
0xe3: {  	v0 =	vadd.f32 v3, v0;
	_ =	sdelay $0x1  }
0xe4: {  	v0 =	vadd.f32 v1, v0  }
0xe5: {  	s28 =	simm.s32 $0x17440  }
0xe6: {  	[tilespmem:s28+$0xFFFFFFC0] =	vst v0  }
0xe7: {  	v0 =	vld [tilespmem:s29+$0xD410]  }
0xe8: {  	v1 =	vld [tilespmem:s29+$0xD490];
	_ =	sdelay $0x1  }
0xe9: {  	v2 =	vld [tilespmem:s29+$0xD510];
	_ =	sdelay $0x1  }
0xea: {  	v3 =	vld [tilespmem:s29+$0xD590]  }
0xeb: {  	v0 =	vadd.f32 v1, v0  }
0xec: {  	v1 =	vld [tilespmem:s29+$0xD610]  }
0xed: {  	v0 =	vadd.f32 v2, v0;
	_ =	sdelay $0x1  }
0xee: {  	v0 =	vadd.f32 v3, v0;
	_ =	sdelay $0x1  }
0xef: {  	v0 =	vadd.f32 v1, v0;
	_ =	sdelay $0x1  }
0xf0: {  	[tilespmem:s28+$0xFFFFFFD0] =	vst v0  }
0xf1: {  	v0 =	vld [tilespmem:s29+$0xD420]  }
0xf2: {  	v1 =	vld [tilespmem:s29+$0xD4A0];
	_ =	sdelay $0x1  }
0xf3: {  	v2 =	vld [tilespmem:s29+$0xD520];
	_ =	sdelay $0x1  }
0xf4: {  	v3 =	vld [tilespmem:s29+$0xD5A0]  }
0xf5: {  	v0 =	vadd.f32 v1, v0  }
0xf6: {  	v1 =	vld [tilespmem:s29+$0xD620]  }
0xf7: {  	v0 =	vadd.f32 v2, v0;
	_ =	sdelay $0x1  }
0xf8: {  	v0 =	vadd.f32 v3, v0;
	_ =	sdelay $0x1  }
0xf9: {  	v0 =	vadd.f32 v1, v0;
	_ =	sdelay $0x1  }
0xfa: {  	[tilespmem:s28+$0xFFFFFFE0] =	vst v0  }
0xfb: {  	v0 =	vld [tilespmem:s29+$0xD430]  }
0xfc: {  	v1 =	vld [tilespmem:s29+$0xD4B0];
	_ =	sdelay $0x1  }
0xfd: {  	v2 =	vld [tilespmem:s29+$0xD530];
	_ =	sdelay $0x1  }
0xfe: {  	v3 =	vld [tilespmem:s29+$0xD5B0]  }
0xff: {  	v0 =	vadd.f32 v1, v0  }
0x100: {  	v1 =	vld [tilespmem:s29+$0xD630]  }
0x101: {  	v0 =	vadd.f32 v2, v0;
	_ =	sdelay $0x1  }
0x102: {  	v0 =	vadd.f32 v3, v0;
	_ =	sdelay $0x1  }
0x103: {  	v0 =	vadd.f32 v1, v0;
	_ =	sdelay $0x1  }
0x104: {  	[tilespmem:s28+$0xFFFFFFF0] =	vst v0  }
0x105: {  	v0 =	vld [tilespmem:s29+$0xD440]  }
0x106: {  	v1 =	vld [tilespmem:s29+$0xD4C0];
	_ =	sdelay $0x1  }
0x107: {  	v2 =	vld [tilespmem:s29+$0xD540];
	_ =	sdelay $0x1  }
0x108: {  	v3 =	vld [tilespmem:s29+$0xD5C0]  }
0x109: {  	v0 =	vadd.f32 v1, v0  }
0x10a: {  	v1 =	vld [tilespmem:s29+$0xD640]  }
0x10b: {  	v0 =	vadd.f32 v2, v0;
	_ =	sdelay $0x1  }
0x10c: {  	v0 =	vadd.f32 v3, v0;
	_ =	sdelay $0x1  }
0x10d: {  	v0 =	vadd.f32 v1, v0;
	_ =	sdelay $0x1  }
0x10e: {  	[tilespmem:s28+$0x0] =	vst v0  }
0x10f: {  	v0 =	vld [tilespmem:s29+$0xD450]  }
0x110: {  	v1 =	vld [tilespmem:s29+$0xD4D0];
	_ =	sdelay $0x1  }
0x111: {  	v2 =	vld [tilespmem:s29+$0xD550];
	_ =	sdelay $0x1  }
0x112: {  	v3 =	vld [tilespmem:s29+$0xD5D0]  }
0x113: {  	v0 =	vadd.f32 v1, v0  }
0x114: {  	v1 =	vld [tilespmem:s29+$0xD650]  }
0x115: {  	v0 =	vadd.f32 v2, v0;
	_ =	sdelay $0x1  }
0x116: {  	v0 =	vadd.f32 v3, v0;
	_ =	sdelay $0x1  }
0x117: {  	v0 =	vadd.f32 v1, v0;
	_ =	sdelay $0x1  }
0x118: {  	[tilespmem:s28+$0x10] =	vst v0  }
0x119: {  	v0 =	vld [tilespmem:s29+$0xD460]  }
0x11a: {  	v1 =	vld [tilespmem:s29+$0xD4E0];
	_ =	sdelay $0x1  }
0x11b: {  	v2 =	vld [tilespmem:s29+$0xD560];
	_ =	sdelay $0x1  }
0x11c: {  	v3 =	vld [tilespmem:s29+$0xD5E0]  }
0x11d: {  	v0 =	vadd.f32 v1, v0  }
0x11e: {  	v1 =	vld [tilespmem:s29+$0xD660]  }
0x11f: {  	v0 =	vadd.f32 v2, v0;
	_ =	sdelay $0x1  }
0x120: {  	v0 =	vadd.f32 v3, v0;
	_ =	sdelay $0x1  }
0x121: {  	v0 =	vadd.f32 v1, v0;
	_ =	sdelay $0x1  }
0x122: {  	[tilespmem:s28+$0x20] =	vst v0  }
0x123: {  	v0 =	vld [tilespmem:s29+$0xD470]  }
0x124: {  	v4 =	vld [tilespmem:s29+$0xD4F0]  }
0x125: {  	v3 =	vld [tilespmem:s29+$0xD570]  }
0x126: {  	v2 =	vld [tilespmem:s29+$0xD5F0]  }
0x127: {  	s30 =	simm.s32 $0xA00;
	v1 =	vld [tilespmem:s29+$0xD670];
	s29 =	simm.s32 $0x17440  }
.LBB2_5:
0x128: {  	p0 =	sne.s32 s30, $0x27600  }
0x129: {  	s28 =	sadd.s32 $0x80, s28;
	s31 =	smov.u32 s30;
	s30 =	sadd.s32 $0xA00, s30  }
0x12a: {  	v0 =	vadd.f32 v4, v0;
	_ =	sdelay $0x1  }
0x12b: {  	v0 =	vadd.f32 v3, v0;
	_ =	sdelay $0x1  }
0x12c: {  	v0 =	vadd.f32 v2, v0;
	_ =	sdelay $0x1  }
0x12d: {  	v0 =	vadd.f32 v1, v0  }
0x12e: {  	s31 =	sshra.s32 s31, $0x2  }
0x12f: {  	[tilespmem:s29+$0x30] =	vst v0;
	s29 =	smov.u32 s28  }
0x130: {  	v0 =	vld [tilespmem:s31+$0xD400]  }
0x131: {  	v1 =	vld [tilespmem:s31+$0xD480]  }
0x132: {  	v2 =	vld [tilespmem:s31+$0xD500];
	_ =	sdelay $0x1  }
0x133: {  	v3 =	vld [tilespmem:s31+$0xD580];
	_ =	sdelay $0x1  }
0x134: {  	v0 =	vadd.f32 v1, v0  }
0x135: {  	v1 =	vld [tilespmem:s31+$0xD600]  }
0x136: {  	v0 =	vadd.f32 v2, v0;
	_ =	sdelay $0x1  }
0x137: {  	v0 =	vadd.f32 v3, v0;
	_ =	sdelay $0x1  }
0x138: {  	v0 =	vadd.f32 v1, v0;
	_ =	sdelay $0x1  }
0x139: {  	[tilespmem:s28+$0xFFFFFFC0] =	vst v0  }
0x13a: {  	v0 =	vld [tilespmem:s31+$0xD410]  }
0x13b: {  	v1 =	vld [tilespmem:s31+$0xD490];
	_ =	sdelay $0x1  }
0x13c: {  	v2 =	vld [tilespmem:s31+$0xD510];
	_ =	sdelay $0x1  }
0x13d: {  	v3 =	vld [tilespmem:s31+$0xD590]  }
0x13e: {  	v0 =	vadd.f32 v1, v0  }
0x13f: {  	v1 =	vld [tilespmem:s31+$0xD610]  }
0x140: {  	v0 =	vadd.f32 v2, v0;
	_ =	sdelay $0x1  }
0x141: {  	v0 =	vadd.f32 v3, v0;
	_ =	sdelay $0x1  }
0x142: {  	v0 =	vadd.f32 v1, v0;
	_ =	sdelay $0x1  }
0x143: {  	[tilespmem:s28+$0xFFFFFFD0] =	vst v0  }
0x144: {  	v0 =	vld [tilespmem:s31+$0xD420]  }
0x145: {  	v1 =	vld [tilespmem:s31+$0xD4A0];
	_ =	sdelay $0x1  }
0x146: {  	v2 =	vld [tilespmem:s31+$0xD520];
	_ =	sdelay $0x1  }
0x147: {  	v3 =	vld [tilespmem:s31+$0xD5A0]  }
0x148: {  	v0 =	vadd.f32 v1, v0  }
0x149: {  	v1 =	vld [tilespmem:s31+$0xD620]  }
0x14a: {  	v0 =	vadd.f32 v2, v0;
	_ =	sdelay $0x1  }
0x14b: {  	v0 =	vadd.f32 v3, v0;
	_ =	sdelay $0x1  }
0x14c: {  	v0 =	vadd.f32 v1, v0;
	_ =	sdelay $0x1  }
0x14d: {  	[tilespmem:s28+$0xFFFFFFE0] =	vst v0  }
0x14e: {  	v0 =	vld [tilespmem:s31+$0xD430]  }
0x14f: {  	v1 =	vld [tilespmem:s31+$0xD4B0]  }
0x150: {  	v2 =	vld [tilespmem:s31+$0xD530];
	_ =	sdelay $0x2  }
0x151: {  	v3 =	vld [tilespmem:s31+$0xD5B0]  }
0x152: {  	v0 =	vadd.f32 v1, v0  }
0x153: {  	v1 =	vld [tilespmem:s31+$0xD630]  }
0x154: {  	v0 =	vadd.f32 v2, v0;
	_ =	sdelay $0x1  }
0x155: {  	v0 =	vadd.f32 v3, v0;
	_ =	sdelay $0x1  }
0x156: {  	v0 =	vadd.f32 v1, v0;
	_ =	sdelay $0x1  }
0x157: {  	[tilespmem:s28+$0xFFFFFFF0] =	vst v0  }
0x158: {  	v0 =	vld [tilespmem:s31+$0xD440]  }
0x159: {  	v1 =	vld [tilespmem:s31+$0xD4C0]  }
0x15a: {  	v2 =	vld [tilespmem:s31+$0xD540];
	_ =	sdelay $0x2  }
0x15b: {  	v3 =	vld [tilespmem:s31+$0xD5C0]  }
0x15c: {  	v0 =	vadd.f32 v1, v0  }
0x15d: {  	v1 =	vld [tilespmem:s31+$0xD640]  }
0x15e: {  	v0 =	vadd.f32 v2, v0;
	_ =	sdelay $0x1  }
0x15f: {  	v0 =	vadd.f32 v3, v0;
	_ =	sdelay $0x1  }
0x160: {  	v0 =	vadd.f32 v1, v0;
	_ =	sdelay $0x1  }
0x161: {  	[tilespmem:s28+$0x0] =	vst v0  }
0x162: {  	v0 =	vld [tilespmem:s31+$0xD450]  }
0x163: {  	v1 =	vld [tilespmem:s31+$0xD4D0]  }
0x164: {  	v2 =	vld [tilespmem:s31+$0xD550]  }
0x165: {  	v3 =	vld [tilespmem:s31+$0xD5D0]  }
0x166: {  	v4 =	vld [tilespmem:s31+$0xD650];
	_ =	sdelay $0x1  }
0x167: {  	v0 =	vadd.f32 v1, v0;
	_ =	sdelay $0x1  }
0x168: {  	v0 =	vadd.f32 v2, v0;
	_ =	sdelay $0x1  }
0x169: {  	v0 =	vadd.f32 v3, v0;
	_ =	sdelay $0x1  }
0x16a: {  	v0 =	vadd.f32 v4, v0;
	_ =	sdelay $0x1  }
0x16b: {  	[tilespmem:s28+$0x10] =	vst v0  }
0x16c: {  	v0 =	vld [tilespmem:s31+$0xD460]  }
0x16d: {  	v1 =	vld [tilespmem:s31+$0xD4E0]  }
0x16e: {  	v2 =	vld [tilespmem:s31+$0xD560]  }
0x16f: {  	v3 =	vld [tilespmem:s31+$0xD5E0]  }
0x170: {  	v4 =	vld [tilespmem:s31+$0xD660];
	_ =	sdelay $0x1  }
0x171: {  	v0 =	vadd.f32 v1, v0;
	_ =	sdelay $0x1  }
0x172: {  	v0 =	vadd.f32 v2, v0;
	_ =	sdelay $0x1  }
0x173: {  	v0 =	vadd.f32 v3, v0;
	_ =	sdelay $0x1  }
0x174: {  	v0 =	vadd.f32 v4, v0;
	_ =	sdelay $0x1  }
0x175: {  	[tilespmem:s28+$0x20] =	vst v0  }
.Ltmp1:
0x176: {  	v0 =	vld [tilespmem:s31+$0xD470];
	(pc) =	sbr.rel @p0 .LBB2_5-.Ltmp1, $4  }
0x177: {  	v4 =	vld [tilespmem:s31+$0xD4F0]  }
0x178: {  	v3 =	vld [tilespmem:s31+$0xD570]  }
0x179: {  	v2 =	vld [tilespmem:s31+$0xD5F0]  }
0x17a: {  	v1 =	vld [tilespmem:s31+$0xD670]  }
0x17b: {  	_ = 	snop  }
0x17c: {  	v0 =	vadd.f32 v4, v0;
	_ =	sdelay $0x1  }
0x17d: {  	v0 =	vadd.f32 v3, v0;
	_ =	sdelay $0x1  }
0x17e: {  	v0 =	vadd.f32 v2, v0  }
0x17f: {  	s26 =	sshll.u32 s26, $0xD  }
0x180: {  	s25 =	sadd.s32 $0x1, s25;
	s26 =	sadd.s32 s6, s26;
	v0 =	vadd.f32 v1, v0  }
0x181: {  	p0 =	sne.s32 s25, $0xD;
	s26 =	sshrl.u32 s26, $0x3  }
.Ltmp2:
0x182: {  	s26 =	sadd.s32 s4, s26;
	[tilespmem:s29+$0x30] =	vst v0;
	(pc) =	sbr.rel @p0 .LBB2_2-.Ltmp2, $4  }
0x183: {  	[hbm4b:s26+s3] =	stream.linear.scatter [tilespmem:s22], [sflag:$0x3], $0x2000, $0x38;
	[tilespmem:$0x19400] =	vst v63  }
0x184: {  	_ =	swait.ge [sflag:s8], $0x2000  }
0x185: {  	[sflag:s8] =	ssyncset.done $0x0  }
0x186: {  	[sflag:s8] =	ssyncadd.s32 $0xFFFFE000  }
0x187: {  	s24 =	sadd.s32 $0x1, s24  }
0x188: {  	p0 =	sne.s32 s24, s7  }
.Ltmp3:
0x189: {  	_ = 	snop;
	(pc) =	sbr.rel @p0 .LBB2_1-.Ltmp3, $1  }
0x18a: {  	_ =	sdelay $0x3  }
0x18b: {  	_ =	sfence.sel $0x180000  }
0x18c: {  	[bflag:$0x0] =	sbarrier.arrive $0xFFFF  }
0x18d: {  	p0 =	sne.s32 s0, $0x0;
	_ =	strace $0x90000047  }
0x18e: {  	s0 =	sadd.s32 @!p0 $0x100000, s2;
	[bflag:$0x2] =	sbarrier.arrive $0xFFFF  }
0x18f: {  	[sflag:s0] =	ssyncadd.tile.s32 @!p0 $0x1;
	_ =	shalt  }
.Lfunc_end2:
_tile_overlayer_lowered:
.L_overlay_start_2:
0x190: {  	(tag) =	ssettag $0x2  }
0x191: {  	s0 =	rddreg [dreg:$0x0];
	s2 =	stileid.u32  }
0x192: {  	s1 =	rddreg [dreg:$0x1];
	p0 =	sne.s32 s2, $0x0  }
0x193: {  	s3 =	rddreg [dreg:$0x2];
	[bflag:$0x3] =	sbarrier.arrive $0xFFFF;
	s2 =	simm.s32 @!p0 $0x1C03  }
0x194: {  	[timem:s3], [sflag:s2] =	dma.local @!p0 [hbm:s0], s1  }
0x195: {  	s0 =	simm.s32 @!p0 $0x3  }
0x196: {  	_ =	swait.ge @!p0 [sflag:s0], s1  }
0x197: {  	s1 =	ssub.s32 @!p0 $0x0, s1;
	[sflag:s0] =	ssyncset.done @!p0 $0x0  }
0x198: {  	[sflag:s0] =	ssyncadd.s32 @!p0 s1  }
0x199: {  	[bflag:$0x3] =	sbarrier.arrive $0xFFFF  }
0x19a: {  	_ =	shalt  }

</sc_bundles>
